<compile_context>
chip_gen: v7x
topology: tpu7x:2x2x1
jax: 0.10.2.dev20260603
libtpu: 0.0.44.dev20260713+nightly
codegen_flags: <defaults>
</compile_context>

<pallas_src>
import functools

import jax
import jax.numpy as jnp
from jax import lax
from jax.experimental import pallas as pl
from jax.experimental.pallas import tpu as pltpu
from jax.experimental.pallas import tpu_sc as plsc

H = 512
W = 512
NPH = 32
NPW = 32
PH = H // NPH
PW = W // NPW
NP = NPH * NPW
C = 192

NC = 2
NS = 16
HP = PH // 2
NBUF = 4

NPH_SC = 20
NCH = NPH_SC * 2


def _sc_body(x_hbm, out_hbm, bufs, sls, sss):
    wid = lax.axis_index("s") * NC + lax.axis_index("c")
    tbase = wid * NCH

    def coords(ch):
        gch = tbase + ch
        nph = lax.div(gch, 2 * NPW)
        rem = lax.rem(gch, 2 * NPW)
        j = lax.div(rem, 2)
        jh = lax.rem(rem, 2)
        return nph, j, jh

    def src(ch):
        nph, j, jh = coords(ch)
        return x_hbm.at[
            pl.ds(nph * PH + jh * HP, HP), pl.ds(j * PW, PW), :
        ]

    def dst(ch):
        nph, j, jh = coords(ch)
        return out_hbm.at[nph * NPW + j, pl.ds(jh * HP, HP)]

    def load(ch, b):
        pltpu.async_copy(src(ch), bufs[b], sls[b])

    def store(ch, b):
        pltpu.async_copy(bufs[b], dst(ch), sss[b])

    def wait_l(b):
        pltpu.make_async_copy(src(0), bufs[b], sls[b]).wait()

    def wait_s(b):
        pltpu.make_async_copy(bufs[b], dst(0), sss[b]).wait()

    for b in range(NBUF):
        load(b, b)

    def step(i, _):
        ch = NBUF * i
        for b in range(NBUF):
            wait_l(b)
            store(ch + b, b)
        for b in range(NBUF):
            wait_s(b)
            load(ch + NBUF + b, b)
        return 0

    lax.fori_loop(0, NCH // NBUF - 1, step, 0)

    ch = NCH - NBUF
    for b in range(NBUF):
        wait_l(b)
        store(ch + b, b)
    for b in range(NBUF):
        wait_s(b)


_sc_kernel = functools.partial(
    pl.kernel,
    out_type=jax.ShapeDtypeStruct((NP, PH, PW, C), jnp.float32),
    mesh=plsc.VectorSubcoreMesh(
        core_axis_name="c", subcore_axis_name="s", num_cores=NC, num_subcores=NS
    ),
    scratch_types=[
        [pltpu.VMEM((HP, PW, C), jnp.float32) for _ in range(NBUF)],
        [pltpu.SemaphoreType.DMA for _ in range(NBUF)],
        [pltpu.SemaphoreType.DMA for _ in range(NBUF)],
    ],
    compiler_params=pltpu.CompilerParams(use_tc_tiling_on_sc=True),
)(_sc_body)


def _tc_body(x_ref, y_ref, o_ref, sem):
    nph = NPH_SC + pl.program_id(0)
    for j in range(NPW):
        pltpu.make_async_copy(
            x_ref.at[:, pl.ds(j * PW, PW), :],
            o_ref.at[nph * NPW + j],
            sem,
        ).start()
    for j in range(NPW):
        pltpu.make_async_copy(
            x_ref.at[:, pl.ds(0, PW), :],
            o_ref.at[0],
            sem,
        ).wait()


def _tc_kernel(x3, y):
    return pl.pallas_call(
        _tc_body,
        grid=(NPH - NPH_SC,),
        in_specs=[
            pl.BlockSpec((PH, W, C), lambda i: (NPH_SC + i, 0, 0)),
            pl.BlockSpec(memory_space=pl.ANY),
        ],
        out_specs=pl.BlockSpec(memory_space=pl.ANY),
        out_shape=jax.ShapeDtypeStruct((NP, PH, PW, C), jnp.float32),
        input_output_aliases={1: 0},
        scratch_shapes=[pltpu.SemaphoreType.DMA],
    )(x3, y)


def kernel(x, mesh_pos, batch_idx):
    x3 = x.reshape(H, W, C)
    out = _sc_kernel(x3)
    out = _tc_kernel(x3, out)
    return out.reshape(1, NP, PH, PW, C)

# --- scband reference (transcript-rebuilt; emitter-appended) ---
"""Pipeline reference for scband-grid-patch-builder-26044681682991 (READ-ONLY COPY).

The authoritative reference and input builder live on the scoring server;
editing this copy changes nothing except your own understanding.
"""

import jax, jax.numpy as jnp
import numpy as np

H = 512
W = 512
NPH = 32
NPW = 32
PH = H // NPH
PW = W // NPW
NP = NPH * NPW
C = 192


def setup_inputs(seed: int = 0) -> dict:
    key = jax.random.key(seed)
    k1, k2 = jax.random.split(key)
    N = H * W  # batch_size = 1
    x = jax.random.normal(k1, (N, C), dtype=jnp.float32)
    mesh_pos = jax.random.uniform(k2, (N, 2), dtype=jnp.float32)
    batch_idx = jnp.zeros((N,), dtype=jnp.int32)
    return {"x": x, "mesh_pos": mesh_pos, "batch_idx": batch_idx}


def reference(x, mesh_pos, batch_idx):
    Cdim = x.shape[1]
    N_per_sample = H * W
    batch_size = x.shape[0] // N_per_sample
    assert x.shape[0] == batch_size * N_per_sample
    patches = []
    for b in range(batch_size):
        idx_b = jnp.nonzero(batch_idx == b, size=N_per_sample)[0]
        x_b = jnp.take(x, idx_b, axis=0)
        grid = x_b.reshape(H, W, Cdim)
        chopped = grid.reshape(NPH, PH, NPW, PW, Cdim)
        chopped = jnp.transpose(chopped, (0, 2, 1, 3, 4))
        chopped = chopped.reshape(NP, PH, PW, Cdim)
        patches.append(chopped)
    return jnp.stack(patches, axis=0)

if __name__ == "__main__":
    import jax
    _d = setup_inputs()
    print(jax.jit(kernel)(*tuple(_d.values())))

</pallas_src>

<mosaic_0001>
#map = affine_map<(d0, d1) -> (0, 0, 0)>
#map1 = affine_map<(d0, d1) -> (0, 0, 0, 0)>
module attributes {stable_mosaic.version = 14 : i64} {
  func.func @_sc_body(%arg0: i32, %arg1: i32, %arg2: memref<512x512x192xf32, #tpu.memory_space<hbm>>, %arg3: memref<1024x16x16x192xf32, #tpu.memory_space<hbm>>, %arg4: memref<8x16x192xf32, #tpu.memory_space<vmem>>, %arg5: memref<8x16x192xf32, #tpu.memory_space<vmem>>, %arg6: memref<8x16x192xf32, #tpu.memory_space<vmem>>, %arg7: memref<8x16x192xf32, #tpu.memory_space<vmem>>, %arg8: memref<!tpu.dma_semaphore, #tpu.memory_space<semaphore_mem>>, %arg9: memref<!tpu.dma_semaphore, #tpu.memory_space<semaphore_mem>>, %arg10: memref<!tpu.dma_semaphore, #tpu.memory_space<semaphore_mem>>, %arg11: memref<!tpu.dma_semaphore, #tpu.memory_space<semaphore_mem>>, %arg12: memref<!tpu.dma_semaphore, #tpu.memory_space<semaphore_mem>>, %arg13: memref<!tpu.dma_semaphore, #tpu.memory_space<semaphore_mem>>, %arg14: memref<!tpu.dma_semaphore, #tpu.memory_space<semaphore_mem>>, %arg15: memref<!tpu.dma_semaphore, #tpu.memory_space<semaphore_mem>>) attributes {dimension_semantics = [#tpu.dimension_semantics<core_parallel>, #tpu.dimension_semantics<subcore_parallel>], iteration_bounds = array<i64: 2, 16>, scalar_prefetch = 0 : i64, scratch_operands = 12 : i64, tpu.core_type = #tpu.core_type<sc_vector_subcore>, window_params = [{transform_indices = #map}, {transform_indices = #map1}]} {
    %mul3A = arith.constant 2 : i32
    %mul3A_0 = arith.muli %arg1, %mul3A : i32
    %add3A = arith.addi %mul3A_0, %arg0 : i32
    %mul3A_1 = arith.constant 40 : i32
    %mul3A_2 = arith.muli %add3A, %mul3A_1 : i32
    %add3A_3 = arith.constant 0 : i32
    %add3A_4 = arith.addi %mul3A_2, %add3A_3 : i32
    %div3A = arith.constant 64 : i32
    %div3A_5 = arith.divsi %add3A_4, %div3A : i32
    %rem3A = arith.constant 64 : i32
    %rem3A_6 = arith.remsi %add3A_4, %rem3A : i32
    %div3A_7 = arith.constant 2 : i32
    %div3A_8 = arith.divsi %rem3A_6, %div3A_7 : i32
    %rem3A_9 = arith.constant 2 : i32
    %rem3A_10 = arith.remsi %rem3A_6, %rem3A_9 : i32
    %mul3A_11 = arith.constant 16 : i32
    %mul3A_12 = arith.muli %div3A_5, %mul3A_11 : i32
    %mul3A_13 = arith.constant 8 : i32
    %mul3A_14 = arith.muli %rem3A_10, %mul3A_13 : i32
    %add3A_15 = arith.addi %mul3A_12, %mul3A_14 : i32
    %mul3A_16 = arith.constant 16 : i32
    %mul3A_17 = arith.muli %div3A_8, %mul3A_16 : i32
    %dma_start3A = arith.constant 0 : i32
    %dma_start3A_18 = tpu.memref_slice %arg2[%add3A_15, %mul3A_17, %dma_start3A] : memref<512x512x192xf32, #tpu.memory_space<hbm>> -> memref<8x16x192xf32, #tpu.memory_space<hbm>>
    %dma_start3A_19 = arith.constant 0 : i32
    %dma_start3A_20 = tpu.memref_slice %arg2[%add3A_15, %mul3A_17, %dma_start3A_19] : memref<512x512x192xf32, #tpu.memory_space<hbm>> -> memref<8x16x192xf32, #tpu.memory_space<hbm>>
    tpu.enqueue_dma source(%dma_start3A_20 : memref<8x16x192xf32, #tpu.memory_space<hbm>>) target(%arg4 : memref<8x16x192xf32, #tpu.memory_space<vmem>>) target_semaphore(%arg8 : memref<!tpu.dma_semaphore, #tpu.memory_space<semaphore_mem>>)
    %add3A_21 = arith.constant 1 : i32
    %add3A_22 = arith.addi %mul3A_2, %add3A_21 : i32
    %div3A_23 = arith.constant 64 : i32
    %div3A_24 = arith.divsi %add3A_22, %div3A_23 : i32
    %rem3A_25 = arith.constant 64 : i32
    %rem3A_26 = arith.remsi %add3A_22, %rem3A_25 : i32
    %div3A_27 = arith.constant 2 : i32
    %div3A_28 = arith.divsi %rem3A_26, %div3A_27 : i32
    %rem3A_29 = arith.constant 2 : i32
    %rem3A_30 = arith.remsi %rem3A_26, %rem3A_29 : i32
    %mul3A_31 = arith.constant 16 : i32
    %mul3A_32 = arith.muli %div3A_24, %mul3A_31 : i32
    %mul3A_33 = arith.constant 8 : i32
    %mul3A_34 = arith.muli %rem3A_30, %mul3A_33 : i32
    %add3A_35 = arith.addi %mul3A_32, %mul3A_34 : i32
    %mul3A_36 = arith.constant 16 : i32
    %mul3A_37 = arith.muli %div3A_28, %mul3A_36 : i32
    %dma_start3A_38 = arith.constant 0 : i32
    %dma_start3A_39 = tpu.memref_slice %arg2[%add3A_35, %mul3A_37, %dma_start3A_38] : memref<512x512x192xf32, #tpu.memory_space<hbm>> -> memref<8x16x192xf32, #tpu.memory_space<hbm>>
    %dma_start3A_40 = arith.constant 0 : i32
    %dma_start3A_41 = tpu.memref_slice %arg2[%add3A_35, %mul3A_37, %dma_start3A_40] : memref<512x512x192xf32, #tpu.memory_space<hbm>> -> memref<8x16x192xf32, #tpu.memory_space<hbm>>
    tpu.enqueue_dma source(%dma_start3A_41 : memref<8x16x192xf32, #tpu.memory_space<hbm>>) target(%arg5 : memref<8x16x192xf32, #tpu.memory_space<vmem>>) target_semaphore(%arg9 : memref<!tpu.dma_semaphore, #tpu.memory_space<semaphore_mem>>)
    %add3A_42 = arith.constant 2 : i32
    %add3A_43 = arith.addi %mul3A_2, %add3A_42 : i32
    %div3A_44 = arith.constant 64 : i32
    %div3A_45 = arith.divsi %add3A_43, %div3A_44 : i32
    %rem3A_46 = arith.constant 64 : i32
    %rem3A_47 = arith.remsi %add3A_43, %rem3A_46 : i32
    %div3A_48 = arith.constant 2 : i32
    %div3A_49 = arith.divsi %rem3A_47, %div3A_48 : i32
    %rem3A_50 = arith.constant 2 : i32
    %rem3A_51 = arith.remsi %rem3A_47, %rem3A_50 : i32
    %mul3A_52 = arith.constant 16 : i32
    %mul3A_53 = arith.muli %div3A_45, %mul3A_52 : i32
    %mul3A_54 = arith.constant 8 : i32
    %mul3A_55 = arith.muli %rem3A_51, %mul3A_54 : i32
    %add3A_56 = arith.addi %mul3A_53, %mul3A_55 : i32
    %mul3A_57 = arith.constant 16 : i32
    %mul3A_58 = arith.muli %div3A_49, %mul3A_57 : i32
    %dma_start3A_59 = arith.constant 0 : i32
    %dma_start3A_60 = tpu.memref_slice %arg2[%add3A_56, %mul3A_58, %dma_start3A_59] : memref<512x512x192xf32, #tpu.memory_space<hbm>> -> memref<8x16x192xf32, #tpu.memory_space<hbm>>
    %dma_start3A_61 = arith.constant 0 : i32
    %dma_start3A_62 = tpu.memref_slice %arg2[%add3A_56, %mul3A_58, %dma_start3A_61] : memref<512x512x192xf32, #tpu.memory_space<hbm>> -> memref<8x16x192xf32, #tpu.memory_space<hbm>>
    tpu.enqueue_dma source(%dma_start3A_62 : memref<8x16x192xf32, #tpu.memory_space<hbm>>) target(%arg6 : memref<8x16x192xf32, #tpu.memory_space<vmem>>) target_semaphore(%arg10 : memref<!tpu.dma_semaphore, #tpu.memory_space<semaphore_mem>>)
    %add3A_63 = arith.constant 3 : i32
    %add3A_64 = arith.addi %mul3A_2, %add3A_63 : i32
    %div3A_65 = arith.constant 64 : i32
    %div3A_66 = arith.divsi %add3A_64, %div3A_65 : i32
    %rem3A_67 = arith.constant 64 : i32
    %rem3A_68 = arith.remsi %add3A_64, %rem3A_67 : i32
    %div3A_69 = arith.constant 2 : i32
    %div3A_70 = arith.divsi %rem3A_68, %div3A_69 : i32
    %rem3A_71 = arith.constant 2 : i32
    %rem3A_72 = arith.remsi %rem3A_68, %rem3A_71 : i32
    %mul3A_73 = arith.constant 16 : i32
    %mul3A_74 = arith.muli %div3A_66, %mul3A_73 : i32
    %mul3A_75 = arith.constant 8 : i32
    %mul3A_76 = arith.muli %rem3A_72, %mul3A_75 : i32
    %add3A_77 = arith.addi %mul3A_74, %mul3A_76 : i32
    %mul3A_78 = arith.constant 16 : i32
    %mul3A_79 = arith.muli %div3A_70, %mul3A_78 : i32
    %dma_start3A_80 = arith.constant 0 : i32
    %dma_start3A_81 = tpu.memref_slice %arg2[%add3A_77, %mul3A_79, %dma_start3A_80] : memref<512x512x192xf32, #tpu.memory_space<hbm>> -> memref<8x16x192xf32, #tpu.memory_space<hbm>>
    %dma_start3A_82 = arith.constant 0 : i32
    %dma_start3A_83 = tpu.memref_slice %arg2[%add3A_77, %mul3A_79, %dma_start3A_82] : memref<512x512x192xf32, #tpu.memory_space<hbm>> -> memref<8x16x192xf32, #tpu.memory_space<hbm>>
    tpu.enqueue_dma source(%dma_start3A_83 : memref<8x16x192xf32, #tpu.memory_space<hbm>>) target(%arg7 : memref<8x16x192xf32, #tpu.memory_space<vmem>>) target_semaphore(%arg11 : memref<!tpu.dma_semaphore, #tpu.memory_space<semaphore_mem>>)
    %scan3A = arith.constant 0 : i32
    %scan3A_84 = arith.constant 0 : i32
    %scan3A_85 = arith.constant 9 : i32
    %scan3A_86 = arith.addi %scan3A_84, %scan3A_85 : i32
    %scan3A_87 = arith.constant 1 : i32
    %scan3A_88 = scf.for %scan3A_357 = %scan3A_84 to %scan3A_86 step %scan3A_87 iter_args(%scan3A_358 = %scan3A) -> (i32)  : i32 {
      %mul3A_359 = arith.constant 4 : i32
      %mul3A_360 = arith.muli %mul3A_359, %scan3A_357 : i32
      %add3A_361 = arith.constant 0 : i32
      %add3A_362 = arith.addi %mul3A_2, %add3A_361 : i32
      %div3A_363 = arith.constant 64 : i32
      %div3A_364 = arith.divsi %add3A_362, %div3A_363 : i32
      %rem3A_365 = arith.constant 64 : i32
      %rem3A_366 = arith.remsi %add3A_362, %rem3A_365 : i32
      %div3A_367 = arith.constant 2 : i32
      %div3A_368 = arith.divsi %rem3A_366, %div3A_367 : i32
      %rem3A_369 = arith.constant 2 : i32
      %rem3A_370 = arith.remsi %rem3A_366, %rem3A_369 : i32
      %mul3A_371 = arith.constant 16 : i32
      %mul3A_372 = arith.muli %div3A_364, %mul3A_371 : i32
      %mul3A_373 = arith.constant 8 : i32
      %mul3A_374 = arith.muli %rem3A_370, %mul3A_373 : i32
      %add3A_375 = arith.addi %mul3A_372, %mul3A_374 : i32
      %mul3A_376 = arith.constant 16 : i32
      %mul3A_377 = arith.muli %div3A_368, %mul3A_376 : i32
      %dma_wait3A_378 = arith.constant 0 : i32
      %dma_wait3A_379 = tpu.memref_slice %arg2[%add3A_375, %mul3A_377, %dma_wait3A_378] : memref<512x512x192xf32, #tpu.memory_space<hbm>> -> memref<8x16x192xf32, #tpu.memory_space<hbm>>
      %dma_wait3A_380 = arith.constant 0 : i32
      %dma_wait3A_381 = tpu.memref_slice %arg2[%add3A_375, %mul3A_377, %dma_wait3A_380] : memref<512x512x192xf32, #tpu.memory_space<hbm>> -> memref<8x16x192xf32, #tpu.memory_space<hbm>>
      tpu.wait_dma2 semaphore(%arg8 : memref<!tpu.dma_semaphore, #tpu.memory_space<semaphore_mem>>) src(%dma_wait3A_381 : memref<8x16x192xf32, #tpu.memory_space<hbm>>) dst(%arg4 : memref<8x16x192xf32, #tpu.memory_space<vmem>>)
      %add3A_382 = arith.constant 0 : i32
      %add3A_383 = arith.addi %mul3A_360, %add3A_382 : i32
      %add3A_384 = arith.addi %mul3A_2, %add3A_383 : i32
      %div3A_385 = arith.constant 64 : i32
      %div3A_386 = arith.divsi %add3A_384, %div3A_385 : i32
      %rem3A_387 = arith.constant 64 : i32
      %rem3A_388 = arith.remsi %add3A_384, %rem3A_387 : i32
      %div3A_389 = arith.constant 2 : i32
      %div3A_390 = arith.divsi %rem3A_388, %div3A_389 : i32
      %rem3A_391 = arith.constant 2 : i32
      %rem3A_392 = arith.remsi %rem3A_388, %rem3A_391 : i32
      %mul3A_393 = arith.constant 32 : i32
      %mul3A_394 = arith.muli %div3A_386, %mul3A_393 : i32
      %add3A_395 = arith.addi %mul3A_394, %div3A_390 : i32
      %mul3A_396 = arith.constant 8 : i32
      %mul3A_397 = arith.muli %rem3A_392, %mul3A_396 : i32
      %dma_start3A_398 = arith.constant 0 : i32
      %dma_start3A_399 = arith.constant 0 : i32
      %dma_start3A_400 = tpu.memref_slice %arg3[%add3A_395, %mul3A_397, %dma_start3A_398, %dma_start3A_399] : memref<1024x16x16x192xf32, #tpu.memory_space<hbm>> -> memref<1x8x16x192xf32, #tpu.memory_space<hbm>>
      %dma_start3A_401 = tpu.memref_squeeze %dma_start3A_400 : memref<1x8x16x192xf32, #tpu.memory_space<hbm>> -> memref<8x16x192xf32, #tpu.memory_space<hbm>>
      %dma_start3A_402 = arith.constant 0 : i32
      %dma_start3A_403 = arith.constant 0 : i32
      %dma_start3A_404 = tpu.memref_slice %arg3[%add3A_395, %mul3A_397, %dma_start3A_402, %dma_start3A_403] : memref<1024x16x16x192xf32, #tpu.memory_space<hbm>> -> memref<1x8x16x192xf32, #tpu.memory_space<hbm>>
      %dma_start3A_405 = tpu.memref_squeeze %dma_start3A_404 : memref<1x8x16x192xf32, #tpu.memory_space<hbm>> -> memref<8x16x192xf32, #tpu.memory_space<hbm>>
      tpu.enqueue_dma source(%arg4 : memref<8x16x192xf32, #tpu.memory_space<vmem>>) target(%dma_start3A_405 : memref<8x16x192xf32, #tpu.memory_space<hbm>>) target_semaphore(%arg12 : memref<!tpu.dma_semaphore, #tpu.memory_space<semaphore_mem>>)
      %add3A_406 = arith.constant 0 : i32
      %add3A_407 = arith.addi %mul3A_2, %add3A_406 : i32
      %div3A_408 = arith.constant 64 : i32
      %div3A_409 = arith.divsi %add3A_407, %div3A_408 : i32
      %rem3A_410 = arith.constant 64 : i32
      %rem3A_411 = arith.remsi %add3A_407, %rem3A_410 : i32
      %div3A_412 = arith.constant 2 : i32
      %div3A_413 = arith.divsi %rem3A_411, %div3A_412 : i32
      %rem3A_414 = arith.constant 2 : i32
      %rem3A_415 = arith.remsi %rem3A_411, %rem3A_414 : i32
      %mul3A_416 = arith.constant 16 : i32
      %mul3A_417 = arith.muli %div3A_409, %mul3A_416 : i32
      %mul3A_418 = arith.constant 8 : i32
      %mul3A_419 = arith.muli %rem3A_415, %mul3A_418 : i32
      %add3A_420 = arith.addi %mul3A_417, %mul3A_419 : i32
      %mul3A_421 = arith.constant 16 : i32
      %mul3A_422 = arith.muli %div3A_413, %mul3A_421 : i32
      %dma_wait3A_423 = arith.constant 0 : i32
      %dma_wait3A_424 = tpu.memref_slice %arg2[%add3A_420, %mul3A_422, %dma_wait3A_423] : memref<512x512x192xf32, #tpu.memory_space<hbm>> -> memref<8x16x192xf32, #tpu.memory_space<hbm>>
      %dma_wait3A_425 = arith.constant 0 : i32
      %dma_wait3A_426 = tpu.memref_slice %arg2[%add3A_420, %mul3A_422, %dma_wait3A_425] : memref<512x512x192xf32, #tpu.memory_space<hbm>> -> memref<8x16x192xf32, #tpu.memory_space<hbm>>
      tpu.wait_dma2 semaphore(%arg9 : memref<!tpu.dma_semaphore, #tpu.memory_space<semaphore_mem>>) src(%dma_wait3A_426 : memref<8x16x192xf32, #tpu.memory_space<hbm>>) dst(%arg5 : memref<8x16x192xf32, #tpu.memory_space<vmem>>)
      %add3A_427 = arith.constant 1 : i32
      %add3A_428 = arith.addi %mul3A_360, %add3A_427 : i32
      %add3A_429 = arith.addi %mul3A_2, %add3A_428 : i32
      %div3A_430 = arith.constant 64 : i32
      %div3A_431 = arith.divsi %add3A_429, %div3A_430 : i32
      %rem3A_432 = arith.constant 64 : i32
      %rem3A_433 = arith.remsi %add3A_429, %rem3A_432 : i32
      %div3A_434 = arith.constant 2 : i32
      %div3A_435 = arith.divsi %rem3A_433, %div3A_434 : i32
      %rem3A_436 = arith.constant 2 : i32
      %rem3A_437 = arith.remsi %rem3A_433, %rem3A_436 : i32
      %mul3A_438 = arith.constant 32 : i32
      %mul3A_439 = arith.muli %div3A_431, %mul3A_438 : i32
      %add3A_440 = arith.addi %mul3A_439, %div3A_435 : i32
      %mul3A_441 = arith.constant 8 : i32
      %mul3A_442 = arith.muli %rem3A_437, %mul3A_441 : i32
      %dma_start3A_443 = arith.constant 0 : i32
      %dma_start3A_444 = arith.constant 0 : i32
      %dma_start3A_445 = tpu.memref_slice %arg3[%add3A_440, %mul3A_442, %dma_start3A_443, %dma_start3A_444] : memref<1024x16x16x192xf32, #tpu.memory_space<hbm>> -> memref<1x8x16x192xf32, #tpu.memory_space<hbm>>
      %dma_start3A_446 = tpu.memref_squeeze %dma_start3A_445 : memref<1x8x16x192xf32, #tpu.memory_space<hbm>> -> memref<8x16x192xf32, #tpu.memory_space<hbm>>
      %dma_start3A_447 = arith.constant 0 : i32
      %dma_start3A_448 = arith.constant 0 : i32
      %dma_start3A_449 = tpu.memref_slice %arg3[%add3A_440, %mul3A_442, %dma_start3A_447, %dma_start3A_448] : memref<1024x16x16x192xf32, #tpu.memory_space<hbm>> -> memref<1x8x16x192xf32, #tpu.memory_space<hbm>>
      %dma_start3A_450 = tpu.memref_squeeze %dma_start3A_449 : memref<1x8x16x192xf32, #tpu.memory_space<hbm>> -> memref<8x16x192xf32, #tpu.memory_space<hbm>>
      tpu.enqueue_dma source(%arg5 : memref<8x16x192xf32, #tpu.memory_space<vmem>>) target(%dma_start3A_450 : memref<8x16x192xf32, #tpu.memory_space<hbm>>) target_semaphore(%arg13 : memref<!tpu.dma_semaphore, #tpu.memory_space<semaphore_mem>>)
      %add3A_451 = arith.constant 0 : i32
      %add3A_452 = arith.addi %mul3A_2, %add3A_451 : i32
      %div3A_453 = arith.constant 64 : i32
      %div3A_454 = arith.divsi %add3A_452, %div3A_453 : i32
      %rem3A_455 = arith.constant 64 : i32
      %rem3A_456 = arith.remsi %add3A_452, %rem3A_455 : i32
      %div3A_457 = arith.constant 2 : i32
      %div3A_458 = arith.divsi %rem3A_456, %div3A_457 : i32
      %rem3A_459 = arith.constant 2 : i32
      %rem3A_460 = arith.remsi %rem3A_456, %rem3A_459 : i32
      %mul3A_461 = arith.constant 16 : i32
      %mul3A_462 = arith.muli %div3A_454, %mul3A_461 : i32
      %mul3A_463 = arith.constant 8 : i32
      %mul3A_464 = arith.muli %rem3A_460, %mul3A_463 : i32
      %add3A_465 = arith.addi %mul3A_462, %mul3A_464 : i32
      %mul3A_466 = arith.constant 16 : i32
      %mul3A_467 = arith.muli %div3A_458, %mul3A_466 : i32
      %dma_wait3A_468 = arith.constant 0 : i32
      %dma_wait3A_469 = tpu.memref_slice %arg2[%add3A_465, %mul3A_467, %dma_wait3A_468] : memref<512x512x192xf32, #tpu.memory_space<hbm>> -> memref<8x16x192xf32, #tpu.memory_space<hbm>>
      %dma_wait3A_470 = arith.constant 0 : i32
      %dma_wait3A_471 = tpu.memref_slice %arg2[%add3A_465, %mul3A_467, %dma_wait3A_470] : memref<512x512x192xf32, #tpu.memory_space<hbm>> -> memref<8x16x192xf32, #tpu.memory_space<hbm>>
      tpu.wait_dma2 semaphore(%arg10 : memref<!tpu.dma_semaphore, #tpu.memory_space<semaphore_mem>>) src(%dma_wait3A_471 : memref<8x16x192xf32, #tpu.memory_space<hbm>>) dst(%arg6 : memref<8x16x192xf32, #tpu.memory_space<vmem>>)
      %add3A_472 = arith.constant 2 : i32
      %add3A_473 = arith.addi %mul3A_360, %add3A_472 : i32
      %add3A_474 = arith.addi %mul3A_2, %add3A_473 : i32
      %div3A_475 = arith.constant 64 : i32
      %div3A_476 = arith.divsi %add3A_474, %div3A_475 : i32
      %rem3A_477 = arith.constant 64 : i32
      %rem3A_478 = arith.remsi %add3A_474, %rem3A_477 : i32
      %div3A_479 = arith.constant 2 : i32
      %div3A_480 = arith.divsi %rem3A_478, %div3A_479 : i32
      %rem3A_481 = arith.constant 2 : i32
      %rem3A_482 = arith.remsi %rem3A_478, %rem3A_481 : i32
      %mul3A_483 = arith.constant 32 : i32
      %mul3A_484 = arith.muli %div3A_476, %mul3A_483 : i32
      %add3A_485 = arith.addi %mul3A_484, %div3A_480 : i32
      %mul3A_486 = arith.constant 8 : i32
      %mul3A_487 = arith.muli %rem3A_482, %mul3A_486 : i32
      %dma_start3A_488 = arith.constant 0 : i32
      %dma_start3A_489 = arith.constant 0 : i32
      %dma_start3A_490 = tpu.memref_slice %arg3[%add3A_485, %mul3A_487, %dma_start3A_488, %dma_start3A_489] : memref<1024x16x16x192xf32, #tpu.memory_space<hbm>> -> memref<1x8x16x192xf32, #tpu.memory_space<hbm>>
      %dma_start3A_491 = tpu.memref_squeeze %dma_start3A_490 : memref<1x8x16x192xf32, #tpu.memory_space<hbm>> -> memref<8x16x192xf32, #tpu.memory_space<hbm>>
      %dma_start3A_492 = arith.constant 0 : i32
      %dma_start3A_493 = arith.constant 0 : i32
      %dma_start3A_494 = tpu.memref_slice %arg3[%add3A_485, %mul3A_487, %dma_start3A_492, %dma_start3A_493] : memref<1024x16x16x192xf32, #tpu.memory_space<hbm>> -> memref<1x8x16x192xf32, #tpu.memory_space<hbm>>
      %dma_start3A_495 = tpu.memref_squeeze %dma_start3A_494 : memref<1x8x16x192xf32, #tpu.memory_space<hbm>> -> memref<8x16x192xf32, #tpu.memory_space<hbm>>
      tpu.enqueue_dma source(%arg6 : memref<8x16x192xf32, #tpu.memory_space<vmem>>) target(%dma_start3A_495 : memref<8x16x192xf32, #tpu.memory_space<hbm>>) target_semaphore(%arg14 : memref<!tpu.dma_semaphore, #tpu.memory_space<semaphore_mem>>)
      %add3A_496 = arith.constant 0 : i32
      %add3A_497 = arith.addi %mul3A_2, %add3A_496 : i32
      %div3A_498 = arith.constant 64 : i32
      %div3A_499 = arith.divsi %add3A_497, %div3A_498 : i32
      %rem3A_500 = arith.constant 64 : i32
      %rem3A_501 = arith.remsi %add3A_497, %rem3A_500 : i32
      %div3A_502 = arith.constant 2 : i32
      %div3A_503 = arith.divsi %rem3A_501, %div3A_502 : i32
      %rem3A_504 = arith.constant 2 : i32
      %rem3A_505 = arith.remsi %rem3A_501, %rem3A_504 : i32
      %mul3A_506 = arith.constant 16 : i32
      %mul3A_507 = arith.muli %div3A_499, %mul3A_506 : i32
      %mul3A_508 = arith.constant 8 : i32
      %mul3A_509 = arith.muli %rem3A_505, %mul3A_508 : i32
      %add3A_510 = arith.addi %mul3A_507, %mul3A_509 : i32
      %mul3A_511 = arith.constant 16 : i32
      %mul3A_512 = arith.muli %div3A_503, %mul3A_511 : i32
      %dma_wait3A_513 = arith.constant 0 : i32
      %dma_wait3A_514 = tpu.memref_slice %arg2[%add3A_510, %mul3A_512, %dma_wait3A_513] : memref<512x512x192xf32, #tpu.memory_space<hbm>> -> memref<8x16x192xf32, #tpu.memory_space<hbm>>
      %dma_wait3A_515 = arith.constant 0 : i32
      %dma_wait3A_516 = tpu.memref_slice %arg2[%add3A_510, %mul3A_512, %dma_wait3A_515] : memref<512x512x192xf32, #tpu.memory_space<hbm>> -> memref<8x16x192xf32, #tpu.memory_space<hbm>>
      tpu.wait_dma2 semaphore(%arg11 : memref<!tpu.dma_semaphore, #tpu.memory_space<semaphore_mem>>) src(%dma_wait3A_516 : memref<8x16x192xf32, #tpu.memory_space<hbm>>) dst(%arg7 : memref<8x16x192xf32, #tpu.memory_space<vmem>>)
      %add3A_517 = arith.constant 3 : i32
      %add3A_518 = arith.addi %mul3A_360, %add3A_517 : i32
      %add3A_519 = arith.addi %mul3A_2, %add3A_518 : i32
      %div3A_520 = arith.constant 64 : i32
      %div3A_521 = arith.divsi %add3A_519, %div3A_520 : i32
      %rem3A_522 = arith.constant 64 : i32
      %rem3A_523 = arith.remsi %add3A_519, %rem3A_522 : i32
      %div3A_524 = arith.constant 2 : i32
      %div3A_525 = arith.divsi %rem3A_523, %div3A_524 : i32
      %rem3A_526 = arith.constant 2 : i32
      %rem3A_527 = arith.remsi %rem3A_523, %rem3A_526 : i32
      %mul3A_528 = arith.constant 32 : i32
      %mul3A_529 = arith.muli %div3A_521, %mul3A_528 : i32
      %add3A_530 = arith.addi %mul3A_529, %div3A_525 : i32
      %mul3A_531 = arith.constant 8 : i32
      %mul3A_532 = arith.muli %rem3A_527, %mul3A_531 : i32
      %dma_start3A_533 = arith.constant 0 : i32
      %dma_start3A_534 = arith.constant 0 : i32
      %dma_start3A_535 = tpu.memref_slice %arg3[%add3A_530, %mul3A_532, %dma_start3A_533, %dma_start3A_534] : memref<1024x16x16x192xf32, #tpu.memory_space<hbm>> -> memref<1x8x16x192xf32, #tpu.memory_space<hbm>>
      %dma_start3A_536 = tpu.memref_squeeze %dma_start3A_535 : memref<1x8x16x192xf32, #tpu.memory_space<hbm>> -> memref<8x16x192xf32, #tpu.memory_space<hbm>>
      %dma_start3A_537 = arith.constant 0 : i32
      %dma_start3A_538 = arith.constant 0 : i32
      %dma_start3A_539 = tpu.memref_slice %arg3[%add3A_530, %mul3A_532, %dma_start3A_537, %dma_start3A_538] : memref<1024x16x16x192xf32, #tpu.memory_space<hbm>> -> memref<1x8x16x192xf32, #tpu.memory_space<hbm>>
      %dma_start3A_540 = tpu.memref_squeeze %dma_start3A_539 : memref<1x8x16x192xf32, #tpu.memory_space<hbm>> -> memref<8x16x192xf32, #tpu.memory_space<hbm>>
      tpu.enqueue_dma source(%arg7 : memref<8x16x192xf32, #tpu.memory_space<vmem>>) target(%dma_start3A_540 : memref<8x16x192xf32, #tpu.memory_space<hbm>>) target_semaphore(%arg15 : memref<!tpu.dma_semaphore, #tpu.memory_space<semaphore_mem>>)
      %add3A_541 = arith.constant 0 : i32
      %add3A_542 = arith.addi %mul3A_2, %add3A_541 : i32
      %div3A_543 = arith.constant 64 : i32
      %div3A_544 = arith.divsi %add3A_542, %div3A_543 : i32
      %rem3A_545 = arith.constant 64 : i32
      %rem3A_546 = arith.remsi %add3A_542, %rem3A_545 : i32
      %div3A_547 = arith.constant 2 : i32
      %div3A_548 = arith.divsi %rem3A_546, %div3A_547 : i32
      %rem3A_549 = arith.constant 2 : i32
      %rem3A_550 = arith.remsi %rem3A_546, %rem3A_549 : i32
      %mul3A_551 = arith.constant 32 : i32
      %mul3A_552 = arith.muli %div3A_544, %mul3A_551 : i32
      %add3A_553 = arith.addi %mul3A_552, %div3A_548 : i32
      %mul3A_554 = arith.constant 8 : i32
      %mul3A_555 = arith.muli %rem3A_550, %mul3A_554 : i32
      %dma_wait3A_556 = arith.constant 0 : i32
      %dma_wait3A_557 = arith.constant 0 : i32
      %dma_wait3A_558 = tpu.memref_slice %arg3[%add3A_553, %mul3A_555, %dma_wait3A_556, %dma_wait3A_557] : memref<1024x16x16x192xf32, #tpu.memory_space<hbm>> -> memref<1x8x16x192xf32, #tpu.memory_space<hbm>>
      %dma_wait3A_559 = tpu.memref_squeeze %dma_wait3A_558 : memref<1x8x16x192xf32, #tpu.memory_space<hbm>> -> memref<8x16x192xf32, #tpu.memory_space<hbm>>
      %dma_wait3A_560 = arith.constant 0 : i32
      %dma_wait3A_561 = arith.constant 0 : i32
      %dma_wait3A_562 = tpu.memref_slice %arg3[%add3A_553, %mul3A_555, %dma_wait3A_560, %dma_wait3A_561] : memref<1024x16x16x192xf32, #tpu.memory_space<hbm>> -> memref<1x8x16x192xf32, #tpu.memory_space<hbm>>
      %dma_wait3A_563 = tpu.memref_squeeze %dma_wait3A_562 : memref<1x8x16x192xf32, #tpu.memory_space<hbm>> -> memref<8x16x192xf32, #tpu.memory_space<hbm>>
      tpu.wait_dma2 semaphore(%arg12 : memref<!tpu.dma_semaphore, #tpu.memory_space<semaphore_mem>>) src(%arg4 : memref<8x16x192xf32, #tpu.memory_space<vmem>>) dst(%dma_wait3A_563 : memref<8x16x192xf32, #tpu.memory_space<hbm>>)
      %add3A_564 = arith.constant 4 : i32
      %add3A_565 = arith.addi %mul3A_360, %add3A_564 : i32
      %add3A_566 = arith.constant 0 : i32
      %add3A_567 = arith.addi %add3A_565, %add3A_566 : i32
      %add3A_568 = arith.addi %mul3A_2, %add3A_567 : i32
      %div3A_569 = arith.constant 64 : i32
      %div3A_570 = arith.divsi %add3A_568, %div3A_569 : i32
      %rem3A_571 = arith.constant 64 : i32
      %rem3A_572 = arith.remsi %add3A_568, %rem3A_571 : i32
      %div3A_573 = arith.constant 2 : i32
      %div3A_574 = arith.divsi %rem3A_572, %div3A_573 : i32
      %rem3A_575 = arith.constant 2 : i32
      %rem3A_576 = arith.remsi %rem3A_572, %rem3A_575 : i32
      %mul3A_577 = arith.constant 16 : i32
      %mul3A_578 = arith.muli %div3A_570, %mul3A_577 : i32
      %mul3A_579 = arith.constant 8 : i32
      %mul3A_580 = arith.muli %rem3A_576, %mul3A_579 : i32
      %add3A_581 = arith.addi %mul3A_578, %mul3A_580 : i32
      %mul3A_582 = arith.constant 16 : i32
      %mul3A_583 = arith.muli %div3A_574, %mul3A_582 : i32
      %dma_start3A_584 = arith.constant 0 : i32
      %dma_start3A_585 = tpu.memref_slice %arg2[%add3A_581, %mul3A_583, %dma_start3A_584] : memref<512x512x192xf32, #tpu.memory_space<hbm>> -> memref<8x16x192xf32, #tpu.memory_space<hbm>>
      %dma_start3A_586 = arith.constant 0 : i32
      %dma_start3A_587 = tpu.memref_slice %arg2[%add3A_581, %mul3A_583, %dma_start3A_586] : memref<512x512x192xf32, #tpu.memory_space<hbm>> -> memref<8x16x192xf32, #tpu.memory_space<hbm>>
      tpu.enqueue_dma source(%dma_start3A_587 : memref<8x16x192xf32, #tpu.memory_space<hbm>>) target(%arg4 : memref<8x16x192xf32, #tpu.memory_space<vmem>>) target_semaphore(%arg8 : memref<!tpu.dma_semaphore, #tpu.memory_space<semaphore_mem>>)
      %add3A_588 = arith.constant 0 : i32
      %add3A_589 = arith.addi %mul3A_2, %add3A_588 : i32
      %div3A_590 = arith.constant 64 : i32
      %div3A_591 = arith.divsi %add3A_589, %div3A_590 : i32
      %rem3A_592 = arith.constant 64 : i32
      %rem3A_593 = arith.remsi %add3A_589, %rem3A_592 : i32
      %div3A_594 = arith.constant 2 : i32
      %div3A_595 = arith.divsi %rem3A_593, %div3A_594 : i32
      %rem3A_596 = arith.constant 2 : i32
      %rem3A_597 = arith.remsi %rem3A_593, %rem3A_596 : i32
      %mul3A_598 = arith.constant 32 : i32
      %mul3A_599 = arith.muli %div3A_591, %mul3A_598 : i32
      %add3A_600 = arith.addi %mul3A_599, %div3A_595 : i32
      %mul3A_601 = arith.constant 8 : i32
      %mul3A_602 = arith.muli %rem3A_597, %mul3A_601 : i32
      %dma_wait3A_603 = arith.constant 0 : i32
      %dma_wait3A_604 = arith.constant 0 : i32
      %dma_wait3A_605 = tpu.memref_slice %arg3[%add3A_600, %mul3A_602, %dma_wait3A_603, %dma_wait3A_604] : memref<1024x16x16x192xf32, #tpu.memory_space<hbm>> -> memref<1x8x16x192xf32, #tpu.memory_space<hbm>>
      %dma_wait3A_606 = tpu.memref_squeeze %dma_wait3A_605 : memref<1x8x16x192xf32, #tpu.memory_space<hbm>> -> memref<8x16x192xf32, #tpu.memory_space<hbm>>
      %dma_wait3A_607 = arith.constant 0 : i32
      %dma_wait3A_608 = arith.constant 0 : i32
      %dma_wait3A_609 = tpu.memref_slice %arg3[%add3A_600, %mul3A_602, %dma_wait3A_607, %dma_wait3A_608] : memref<1024x16x16x192xf32, #tpu.memory_space<hbm>> -> memref<1x8x16x192xf32, #tpu.memory_space<hbm>>
      %dma_wait3A_610 = tpu.memref_squeeze %dma_wait3A_609 : memref<1x8x16x192xf32, #tpu.memory_space<hbm>> -> memref<8x16x192xf32, #tpu.memory_space<hbm>>
      tpu.wait_dma2 semaphore(%arg13 : memref<!tpu.dma_semaphore, #tpu.memory_space<semaphore_mem>>) src(%arg5 : memref<8x16x192xf32, #tpu.memory_space<vmem>>) dst(%dma_wait3A_610 : memref<8x16x192xf32, #tpu.memory_space<hbm>>)
      %add3A_611 = arith.constant 4 : i32
      %add3A_612 = arith.addi %mul3A_360, %add3A_611 : i32
      %add3A_613 = arith.constant 1 : i32
      %add3A_614 = arith.addi %add3A_612, %add3A_613 : i32
      %add3A_615 = arith.addi %mul3A_2, %add3A_614 : i32
      %div3A_616 = arith.constant 64 : i32
      %div3A_617 = arith.divsi %add3A_615, %div3A_616 : i32
      %rem3A_618 = arith.constant 64 : i32
      %rem3A_619 = arith.remsi %add3A_615, %rem3A_618 : i32
      %div3A_620 = arith.constant 2 : i32
      %div3A_621 = arith.divsi %rem3A_619, %div3A_620 : i32
      %rem3A_622 = arith.constant 2 : i32
      %rem3A_623 = arith.remsi %rem3A_619, %rem3A_622 : i32
      %mul3A_624 = arith.constant 16 : i32
      %mul3A_625 = arith.muli %div3A_617, %mul3A_624 : i32
      %mul3A_626 = arith.constant 8 : i32
      %mul3A_627 = arith.muli %rem3A_623, %mul3A_626 : i32
      %add3A_628 = arith.addi %mul3A_625, %mul3A_627 : i32
      %mul3A_629 = arith.constant 16 : i32
      %mul3A_630 = arith.muli %div3A_621, %mul3A_629 : i32
      %dma_start3A_631 = arith.constant 0 : i32
      %dma_start3A_632 = tpu.memref_slice %arg2[%add3A_628, %mul3A_630, %dma_start3A_631] : memref<512x512x192xf32, #tpu.memory_space<hbm>> -> memref<8x16x192xf32, #tpu.memory_space<hbm>>
      %dma_start3A_633 = arith.constant 0 : i32
      %dma_start3A_634 = tpu.memref_slice %arg2[%add3A_628, %mul3A_630, %dma_start3A_633] : memref<512x512x192xf32, #tpu.memory_space<hbm>> -> memref<8x16x192xf32, #tpu.memory_space<hbm>>
      tpu.enqueue_dma source(%dma_start3A_634 : memref<8x16x192xf32, #tpu.memory_space<hbm>>) target(%arg5 : memref<8x16x192xf32, #tpu.memory_space<vmem>>) target_semaphore(%arg9 : memref<!tpu.dma_semaphore, #tpu.memory_space<semaphore_mem>>)
      %add3A_635 = arith.constant 0 : i32
      %add3A_636 = arith.addi %mul3A_2, %add3A_635 : i32
      %div3A_637 = arith.constant 64 : i32
      %div3A_638 = arith.divsi %add3A_636, %div3A_637 : i32
      %rem3A_639 = arith.constant 64 : i32
      %rem3A_640 = arith.remsi %add3A_636, %rem3A_639 : i32
      %div3A_641 = arith.constant 2 : i32
      %div3A_642 = arith.divsi %rem3A_640, %div3A_641 : i32
      %rem3A_643 = arith.constant 2 : i32
      %rem3A_644 = arith.remsi %rem3A_640, %rem3A_643 : i32
      %mul3A_645 = arith.constant 32 : i32
      %mul3A_646 = arith.muli %div3A_638, %mul3A_645 : i32
      %add3A_647 = arith.addi %mul3A_646, %div3A_642 : i32
      %mul3A_648 = arith.constant 8 : i32
      %mul3A_649 = arith.muli %rem3A_644, %mul3A_648 : i32
      %dma_wait3A_650 = arith.constant 0 : i32
      %dma_wait3A_651 = arith.constant 0 : i32
      %dma_wait3A_652 = tpu.memref_slice %arg3[%add3A_647, %mul3A_649, %dma_wait3A_650, %dma_wait3A_651] : memref<1024x16x16x192xf32, #tpu.memory_space<hbm>> -> memref<1x8x16x192xf32, #tpu.memory_space<hbm>>
      %dma_wait3A_653 = tpu.memref_squeeze %dma_wait3A_652 : memref<1x8x16x192xf32, #tpu.memory_space<hbm>> -> memref<8x16x192xf32, #tpu.memory_space<hbm>>
      %dma_wait3A_654 = arith.constant 0 : i32
      %dma_wait3A_655 = arith.constant 0 : i32
      %dma_wait3A_656 = tpu.memref_slice %arg3[%add3A_647, %mul3A_649, %dma_wait3A_654, %dma_wait3A_655] : memref<1024x16x16x192xf32, #tpu.memory_space<hbm>> -> memref<1x8x16x192xf32, #tpu.memory_space<hbm>>
      %dma_wait3A_657 = tpu.memref_squeeze %dma_wait3A_656 : memref<1x8x16x192xf32, #tpu.memory_space<hbm>> -> memref<8x16x192xf32, #tpu.memory_space<hbm>>
      tpu.wait_dma2 semaphore(%arg14 : memref<!tpu.dma_semaphore, #tpu.memory_space<semaphore_mem>>) src(%arg6 : memref<8x16x192xf32, #tpu.memory_space<vmem>>) dst(%dma_wait3A_657 : memref<8x16x192xf32, #tpu.memory_space<hbm>>)
      %add3A_658 = arith.constant 4 : i32
      %add3A_659 = arith.addi %mul3A_360, %add3A_658 : i32
      %add3A_660 = arith.constant 2 : i32
      %add3A_661 = arith.addi %add3A_659, %add3A_660 : i32
      %add3A_662 = arith.addi %mul3A_2, %add3A_661 : i32
      %div3A_663 = arith.constant 64 : i32
      %div3A_664 = arith.divsi %add3A_662, %div3A_663 : i32
      %rem3A_665 = arith.constant 64 : i32
      %rem3A_666 = arith.remsi %add3A_662, %rem3A_665 : i32
      %div3A_667 = arith.constant 2 : i32
      %div3A_668 = arith.divsi %rem3A_666, %div3A_667 : i32
      %rem3A_669 = arith.constant 2 : i32
      %rem3A_670 = arith.remsi %rem3A_666, %rem3A_669 : i32
      %mul3A_671 = arith.constant 16 : i32
      %mul3A_672 = arith.muli %div3A_664, %mul3A_671 : i32
      %mul3A_673 = arith.constant 8 : i32
      %mul3A_674 = arith.muli %rem3A_670, %mul3A_673 : i32
      %add3A_675 = arith.addi %mul3A_672, %mul3A_674 : i32
      %mul3A_676 = arith.constant 16 : i32
      %mul3A_677 = arith.muli %div3A_668, %mul3A_676 : i32
      %dma_start3A_678 = arith.constant 0 : i32
      %dma_start3A_679 = tpu.memref_slice %arg2[%add3A_675, %mul3A_677, %dma_start3A_678] : memref<512x512x192xf32, #tpu.memory_space<hbm>> -> memref<8x16x192xf32, #tpu.memory_space<hbm>>
      %dma_start3A_680 = arith.constant 0 : i32
      %dma_start3A_681 = tpu.memref_slice %arg2[%add3A_675, %mul3A_677, %dma_start3A_680] : memref<512x512x192xf32, #tpu.memory_space<hbm>> -> memref<8x16x192xf32, #tpu.memory_space<hbm>>
      tpu.enqueue_dma source(%dma_start3A_681 : memref<8x16x192xf32, #tpu.memory_space<hbm>>) target(%arg6 : memref<8x16x192xf32, #tpu.memory_space<vmem>>) target_semaphore(%arg10 : memref<!tpu.dma_semaphore, #tpu.memory_space<semaphore_mem>>)
      %add3A_682 = arith.constant 0 : i32
      %add3A_683 = arith.addi %mul3A_2, %add3A_682 : i32
      %div3A_684 = arith.constant 64 : i32
      %div3A_685 = arith.divsi %add3A_683, %div3A_684 : i32
      %rem3A_686 = arith.constant 64 : i32
      %rem3A_687 = arith.remsi %add3A_683, %rem3A_686 : i32
      %div3A_688 = arith.constant 2 : i32
      %div3A_689 = arith.divsi %rem3A_687, %div3A_688 : i32
      %rem3A_690 = arith.constant 2 : i32
      %rem3A_691 = arith.remsi %rem3A_687, %rem3A_690 : i32
      %mul3A_692 = arith.constant 32 : i32
      %mul3A_693 = arith.muli %div3A_685, %mul3A_692 : i32
      %add3A_694 = arith.addi %mul3A_693, %div3A_689 : i32
      %mul3A_695 = arith.constant 8 : i32
      %mul3A_696 = arith.muli %rem3A_691, %mul3A_695 : i32
      %dma_wait3A_697 = arith.constant 0 : i32
      %dma_wait3A_698 = arith.constant 0 : i32
      %dma_wait3A_699 = tpu.memref_slice %arg3[%add3A_694, %mul3A_696, %dma_wait3A_697, %dma_wait3A_698] : memref<1024x16x16x192xf32, #tpu.memory_space<hbm>> -> memref<1x8x16x192xf32, #tpu.memory_space<hbm>>
      %dma_wait3A_700 = tpu.memref_squeeze %dma_wait3A_699 : memref<1x8x16x192xf32, #tpu.memory_space<hbm>> -> memref<8x16x192xf32, #tpu.memory_space<hbm>>
      %dma_wait3A_701 = arith.constant 0 : i32
      %dma_wait3A_702 = arith.constant 0 : i32
      %dma_wait3A_703 = tpu.memref_slice %arg3[%add3A_694, %mul3A_696, %dma_wait3A_701, %dma_wait3A_702] : memref<1024x16x16x192xf32, #tpu.memory_space<hbm>> -> memref<1x8x16x192xf32, #tpu.memory_space<hbm>>
      %dma_wait3A_704 = tpu.memref_squeeze %dma_wait3A_703 : memref<1x8x16x192xf32, #tpu.memory_space<hbm>> -> memref<8x16x192xf32, #tpu.memory_space<hbm>>
      tpu.wait_dma2 semaphore(%arg15 : memref<!tpu.dma_semaphore, #tpu.memory_space<semaphore_mem>>) src(%arg7 : memref<8x16x192xf32, #tpu.memory_space<vmem>>) dst(%dma_wait3A_704 : memref<8x16x192xf32, #tpu.memory_space<hbm>>)
      %add3A_705 = arith.constant 4 : i32
      %add3A_706 = arith.addi %mul3A_360, %add3A_705 : i32
      %add3A_707 = arith.constant 3 : i32
      %add3A_708 = arith.addi %add3A_706, %add3A_707 : i32
      %add3A_709 = arith.addi %mul3A_2, %add3A_708 : i32
      %div3A_710 = arith.constant 64 : i32
      %div3A_711 = arith.divsi %add3A_709, %div3A_710 : i32
      %rem3A_712 = arith.constant 64 : i32
      %rem3A_713 = arith.remsi %add3A_709, %rem3A_712 : i32
      %div3A_714 = arith.constant 2 : i32
      %div3A_715 = arith.divsi %rem3A_713, %div3A_714 : i32
      %rem3A_716 = arith.constant 2 : i32
      %rem3A_717 = arith.remsi %rem3A_713, %rem3A_716 : i32
      %mul3A_718 = arith.constant 16 : i32
      %mul3A_719 = arith.muli %div3A_711, %mul3A_718 : i32
      %mul3A_720 = arith.constant 8 : i32
      %mul3A_721 = arith.muli %rem3A_717, %mul3A_720 : i32
      %add3A_722 = arith.addi %mul3A_719, %mul3A_721 : i32
      %mul3A_723 = arith.constant 16 : i32
      %mul3A_724 = arith.muli %div3A_715, %mul3A_723 : i32
      %dma_start3A_725 = arith.constant 0 : i32
      %dma_start3A_726 = tpu.memref_slice %arg2[%add3A_722, %mul3A_724, %dma_start3A_725] : memref<512x512x192xf32, #tpu.memory_space<hbm>> -> memref<8x16x192xf32, #tpu.memory_space<hbm>>
      %dma_start3A_727 = arith.constant 0 : i32
      %dma_start3A_728 = tpu.memref_slice %arg2[%add3A_722, %mul3A_724, %dma_start3A_727] : memref<512x512x192xf32, #tpu.memory_space<hbm>> -> memref<8x16x192xf32, #tpu.memory_space<hbm>>
      tpu.enqueue_dma source(%dma_start3A_728 : memref<8x16x192xf32, #tpu.memory_space<hbm>>) target(%arg7 : memref<8x16x192xf32, #tpu.memory_space<vmem>>) target_semaphore(%arg11 : memref<!tpu.dma_semaphore, #tpu.memory_space<semaphore_mem>>)
      %scan3A_729 = arith.constant 0 : i32
      scf.yield %scan3A_729 : i32
    }
    %scan3A_89 = arith.constant 9 : i32
    %add3A_90 = arith.constant 0 : i32
    %add3A_91 = arith.addi %mul3A_2, %add3A_90 : i32
    %div3A_92 = arith.constant 64 : i32
    %div3A_93 = arith.divsi %add3A_91, %div3A_92 : i32
    %rem3A_94 = arith.constant 64 : i32
    %rem3A_95 = arith.remsi %add3A_91, %rem3A_94 : i32
    %div3A_96 = arith.constant 2 : i32
    %div3A_97 = arith.divsi %rem3A_95, %div3A_96 : i32
    %rem3A_98 = arith.constant 2 : i32
    %rem3A_99 = arith.remsi %rem3A_95, %rem3A_98 : i32
    %mul3A_100 = arith.constant 16 : i32
    %mul3A_101 = arith.muli %div3A_93, %mul3A_100 : i32
    %mul3A_102 = arith.constant 8 : i32
    %mul3A_103 = arith.muli %rem3A_99, %mul3A_102 : i32
    %add3A_104 = arith.addi %mul3A_101, %mul3A_103 : i32
    %mul3A_105 = arith.constant 16 : i32
    %mul3A_106 = arith.muli %div3A_97, %mul3A_105 : i32
    %dma_wait3A = arith.constant 0 : i32
    %dma_wait3A_107 = tpu.memref_slice %arg2[%add3A_104, %mul3A_106, %dma_wait3A] : memref<512x512x192xf32, #tpu.memory_space<hbm>> -> memref<8x16x192xf32, #tpu.memory_space<hbm>>
    %dma_wait3A_108 = arith.constant 0 : i32
    %dma_wait3A_109 = tpu.memref_slice %arg2[%add3A_104, %mul3A_106, %dma_wait3A_108] : memref<512x512x192xf32, #tpu.memory_space<hbm>> -> memref<8x16x192xf32, #tpu.memory_space<hbm>>
    tpu.wait_dma2 semaphore(%arg8 : memref<!tpu.dma_semaphore, #tpu.memory_space<semaphore_mem>>) src(%dma_wait3A_109 : memref<8x16x192xf32, #tpu.memory_space<hbm>>) dst(%arg4 : memref<8x16x192xf32, #tpu.memory_space<vmem>>)
    %add3A_110 = arith.constant 36 : i32
    %add3A_111 = arith.addi %mul3A_2, %add3A_110 : i32
    %div3A_112 = arith.constant 64 : i32
    %div3A_113 = arith.divsi %add3A_111, %div3A_112 : i32
    %rem3A_114 = arith.constant 64 : i32
    %rem3A_115 = arith.remsi %add3A_111, %rem3A_114 : i32
    %div3A_116 = arith.constant 2 : i32
    %div3A_117 = arith.divsi %rem3A_115, %div3A_116 : i32
    %rem3A_118 = arith.constant 2 : i32
    %rem3A_119 = arith.remsi %rem3A_115, %rem3A_118 : i32
    %mul3A_120 = arith.constant 32 : i32
    %mul3A_121 = arith.muli %div3A_113, %mul3A_120 : i32
    %add3A_122 = arith.addi %mul3A_121, %div3A_117 : i32
    %mul3A_123 = arith.constant 8 : i32
    %mul3A_124 = arith.muli %rem3A_119, %mul3A_123 : i32
    %dma_start3A_125 = arith.constant 0 : i32
    %dma_start3A_126 = arith.constant 0 : i32
    %dma_start3A_127 = tpu.memref_slice %arg3[%add3A_122, %mul3A_124, %dma_start3A_125, %dma_start3A_126] : memref<1024x16x16x192xf32, #tpu.memory_space<hbm>> -> memref<1x8x16x192xf32, #tpu.memory_space<hbm>>
    %dma_start3A_128 = tpu.memref_squeeze %dma_start3A_127 : memref<1x8x16x192xf32, #tpu.memory_space<hbm>> -> memref<8x16x192xf32, #tpu.memory_space<hbm>>
    %dma_start3A_129 = arith.constant 0 : i32
    %dma_start3A_130 = arith.constant 0 : i32
    %dma_start3A_131 = tpu.memref_slice %arg3[%add3A_122, %mul3A_124, %dma_start3A_129, %dma_start3A_130] : memref<1024x16x16x192xf32, #tpu.memory_space<hbm>> -> memref<1x8x16x192xf32, #tpu.memory_space<hbm>>
    %dma_start3A_132 = tpu.memref_squeeze %dma_start3A_131 : memref<1x8x16x192xf32, #tpu.memory_space<hbm>> -> memref<8x16x192xf32, #tpu.memory_space<hbm>>
    tpu.enqueue_dma source(%arg4 : memref<8x16x192xf32, #tpu.memory_space<vmem>>) target(%dma_start3A_132 : memref<8x16x192xf32, #tpu.memory_space<hbm>>) target_semaphore(%arg12 : memref<!tpu.dma_semaphore, #tpu.memory_space<semaphore_mem>>)
    %add3A_133 = arith.constant 0 : i32
    %add3A_134 = arith.addi %mul3A_2, %add3A_133 : i32
    %div3A_135 = arith.constant 64 : i32
    %div3A_136 = arith.divsi %add3A_134, %div3A_135 : i32
    %rem3A_137 = arith.constant 64 : i32
    %rem3A_138 = arith.remsi %add3A_134, %rem3A_137 : i32
    %div3A_139 = arith.constant 2 : i32
    %div3A_140 = arith.divsi %rem3A_138, %div3A_139 : i32
    %rem3A_141 = arith.constant 2 : i32
    %rem3A_142 = arith.remsi %rem3A_138, %rem3A_141 : i32
    %mul3A_143 = arith.constant 16 : i32
    %mul3A_144 = arith.muli %div3A_136, %mul3A_143 : i32
    %mul3A_145 = arith.constant 8 : i32
    %mul3A_146 = arith.muli %rem3A_142, %mul3A_145 : i32
    %add3A_147 = arith.addi %mul3A_144, %mul3A_146 : i32
    %mul3A_148 = arith.constant 16 : i32
    %mul3A_149 = arith.muli %div3A_140, %mul3A_148 : i32
    %dma_wait3A_150 = arith.constant 0 : i32
    %dma_wait3A_151 = tpu.memref_slice %arg2[%add3A_147, %mul3A_149, %dma_wait3A_150] : memref<512x512x192xf32, #tpu.memory_space<hbm>> -> memref<8x16x192xf32, #tpu.memory_space<hbm>>
    %dma_wait3A_152 = arith.constant 0 : i32
    %dma_wait3A_153 = tpu.memref_slice %arg2[%add3A_147, %mul3A_149, %dma_wait3A_152] : memref<512x512x192xf32, #tpu.memory_space<hbm>> -> memref<8x16x192xf32, #tpu.memory_space<hbm>>
    tpu.wait_dma2 semaphore(%arg9 : memref<!tpu.dma_semaphore, #tpu.memory_space<semaphore_mem>>) src(%dma_wait3A_153 : memref<8x16x192xf32, #tpu.memory_space<hbm>>) dst(%arg5 : memref<8x16x192xf32, #tpu.memory_space<vmem>>)
    %add3A_154 = arith.constant 37 : i32
    %add3A_155 = arith.addi %mul3A_2, %add3A_154 : i32
    %div3A_156 = arith.constant 64 : i32
    %div3A_157 = arith.divsi %add3A_155, %div3A_156 : i32
    %rem3A_158 = arith.constant 64 : i32
    %rem3A_159 = arith.remsi %add3A_155, %rem3A_158 : i32
    %div3A_160 = arith.constant 2 : i32
    %div3A_161 = arith.divsi %rem3A_159, %div3A_160 : i32
    %rem3A_162 = arith.constant 2 : i32
    %rem3A_163 = arith.remsi %rem3A_159, %rem3A_162 : i32
    %mul3A_164 = arith.constant 32 : i32
    %mul3A_165 = arith.muli %div3A_157, %mul3A_164 : i32
    %add3A_166 = arith.addi %mul3A_165, %div3A_161 : i32
    %mul3A_167 = arith.constant 8 : i32
    %mul3A_168 = arith.muli %rem3A_163, %mul3A_167 : i32
    %dma_start3A_169 = arith.constant 0 : i32
    %dma_start3A_170 = arith.constant 0 : i32
    %dma_start3A_171 = tpu.memref_slice %arg3[%add3A_166, %mul3A_168, %dma_start3A_169, %dma_start3A_170] : memref<1024x16x16x192xf32, #tpu.memory_space<hbm>> -> memref<1x8x16x192xf32, #tpu.memory_space<hbm>>
    %dma_start3A_172 = tpu.memref_squeeze %dma_start3A_171 : memref<1x8x16x192xf32, #tpu.memory_space<hbm>> -> memref<8x16x192xf32, #tpu.memory_space<hbm>>
    %dma_start3A_173 = arith.constant 0 : i32
    %dma_start3A_174 = arith.constant 0 : i32
    %dma_start3A_175 = tpu.memref_slice %arg3[%add3A_166, %mul3A_168, %dma_start3A_173, %dma_start3A_174] : memref<1024x16x16x192xf32, #tpu.memory_space<hbm>> -> memref<1x8x16x192xf32, #tpu.memory_space<hbm>>
    %dma_start3A_176 = tpu.memref_squeeze %dma_start3A_175 : memref<1x8x16x192xf32, #tpu.memory_space<hbm>> -> memref<8x16x192xf32, #tpu.memory_space<hbm>>
    tpu.enqueue_dma source(%arg5 : memref<8x16x192xf32, #tpu.memory_space<vmem>>) target(%dma_start3A_176 : memref<8x16x192xf32, #tpu.memory_space<hbm>>) target_semaphore(%arg13 : memref<!tpu.dma_semaphore, #tpu.memory_space<semaphore_mem>>)
    %add3A_177 = arith.constant 0 : i32
    %add3A_178 = arith.addi %mul3A_2, %add3A_177 : i32
    %div3A_179 = arith.constant 64 : i32
    %div3A_180 = arith.divsi %add3A_178, %div3A_179 : i32
    %rem3A_181 = arith.constant 64 : i32
    %rem3A_182 = arith.remsi %add3A_178, %rem3A_181 : i32
    %div3A_183 = arith.constant 2 : i32
    %div3A_184 = arith.divsi %rem3A_182, %div3A_183 : i32
    %rem3A_185 = arith.constant 2 : i32
    %rem3A_186 = arith.remsi %rem3A_182, %rem3A_185 : i32
    %mul3A_187 = arith.constant 16 : i32
    %mul3A_188 = arith.muli %div3A_180, %mul3A_187 : i32
    %mul3A_189 = arith.constant 8 : i32
    %mul3A_190 = arith.muli %rem3A_186, %mul3A_189 : i32
    %add3A_191 = arith.addi %mul3A_188, %mul3A_190 : i32
    %mul3A_192 = arith.constant 16 : i32
    %mul3A_193 = arith.muli %div3A_184, %mul3A_192 : i32
    %dma_wait3A_194 = arith.constant 0 : i32
    %dma_wait3A_195 = tpu.memref_slice %arg2[%add3A_191, %mul3A_193, %dma_wait3A_194] : memref<512x512x192xf32, #tpu.memory_space<hbm>> -> memref<8x16x192xf32, #tpu.memory_space<hbm>>
    %dma_wait3A_196 = arith.constant 0 : i32
    %dma_wait3A_197 = tpu.memref_slice %arg2[%add3A_191, %mul3A_193, %dma_wait3A_196] : memref<512x512x192xf32, #tpu.memory_space<hbm>> -> memref<8x16x192xf32, #tpu.memory_space<hbm>>
    tpu.wait_dma2 semaphore(%arg10 : memref<!tpu.dma_semaphore, #tpu.memory_space<semaphore_mem>>) src(%dma_wait3A_197 : memref<8x16x192xf32, #tpu.memory_space<hbm>>) dst(%arg6 : memref<8x16x192xf32, #tpu.memory_space<vmem>>)
    %add3A_198 = arith.constant 38 : i32
    %add3A_199 = arith.addi %mul3A_2, %add3A_198 : i32
    %div3A_200 = arith.constant 64 : i32
    %div3A_201 = arith.divsi %add3A_199, %div3A_200 : i32
    %rem3A_202 = arith.constant 64 : i32
    %rem3A_203 = arith.remsi %add3A_199, %rem3A_202 : i32
    %div3A_204 = arith.constant 2 : i32
    %div3A_205 = arith.divsi %rem3A_203, %div3A_204 : i32
    %rem3A_206 = arith.constant 2 : i32
    %rem3A_207 = arith.remsi %rem3A_203, %rem3A_206 : i32
    %mul3A_208 = arith.constant 32 : i32
    %mul3A_209 = arith.muli %div3A_201, %mul3A_208 : i32
    %add3A_210 = arith.addi %mul3A_209, %div3A_205 : i32
    %mul3A_211 = arith.constant 8 : i32
    %mul3A_212 = arith.muli %rem3A_207, %mul3A_211 : i32
    %dma_start3A_213 = arith.constant 0 : i32
    %dma_start3A_214 = arith.constant 0 : i32
    %dma_start3A_215 = tpu.memref_slice %arg3[%add3A_210, %mul3A_212, %dma_start3A_213, %dma_start3A_214] : memref<1024x16x16x192xf32, #tpu.memory_space<hbm>> -> memref<1x8x16x192xf32, #tpu.memory_space<hbm>>
    %dma_start3A_216 = tpu.memref_squeeze %dma_start3A_215 : memref<1x8x16x192xf32, #tpu.memory_space<hbm>> -> memref<8x16x192xf32, #tpu.memory_space<hbm>>
    %dma_start3A_217 = arith.constant 0 : i32
    %dma_start3A_218 = arith.constant 0 : i32
    %dma_start3A_219 = tpu.memref_slice %arg3[%add3A_210, %mul3A_212, %dma_start3A_217, %dma_start3A_218] : memref<1024x16x16x192xf32, #tpu.memory_space<hbm>> -> memref<1x8x16x192xf32, #tpu.memory_space<hbm>>
    %dma_start3A_220 = tpu.memref_squeeze %dma_start3A_219 : memref<1x8x16x192xf32, #tpu.memory_space<hbm>> -> memref<8x16x192xf32, #tpu.memory_space<hbm>>
    tpu.enqueue_dma source(%arg6 : memref<8x16x192xf32, #tpu.memory_space<vmem>>) target(%dma_start3A_220 : memref<8x16x192xf32, #tpu.memory_space<hbm>>) target_semaphore(%arg14 : memref<!tpu.dma_semaphore, #tpu.memory_space<semaphore_mem>>)
    %add3A_221 = arith.constant 0 : i32
    %add3A_222 = arith.addi %mul3A_2, %add3A_221 : i32
    %div3A_223 = arith.constant 64 : i32
    %div3A_224 = arith.divsi %add3A_222, %div3A_223 : i32
    %rem3A_225 = arith.constant 64 : i32
    %rem3A_226 = arith.remsi %add3A_222, %rem3A_225 : i32
    %div3A_227 = arith.constant 2 : i32
    %div3A_228 = arith.divsi %rem3A_226, %div3A_227 : i32
    %rem3A_229 = arith.constant 2 : i32
    %rem3A_230 = arith.remsi %rem3A_226, %rem3A_229 : i32
    %mul3A_231 = arith.constant 16 : i32
    %mul3A_232 = arith.muli %div3A_224, %mul3A_231 : i32
    %mul3A_233 = arith.constant 8 : i32
    %mul3A_234 = arith.muli %rem3A_230, %mul3A_233 : i32
    %add3A_235 = arith.addi %mul3A_232, %mul3A_234 : i32
    %mul3A_236 = arith.constant 16 : i32
    %mul3A_237 = arith.muli %div3A_228, %mul3A_236 : i32
    %dma_wait3A_238 = arith.constant 0 : i32
    %dma_wait3A_239 = tpu.memref_slice %arg2[%add3A_235, %mul3A_237, %dma_wait3A_238] : memref<512x512x192xf32, #tpu.memory_space<hbm>> -> memref<8x16x192xf32, #tpu.memory_space<hbm>>
    %dma_wait3A_240 = arith.constant 0 : i32
    %dma_wait3A_241 = tpu.memref_slice %arg2[%add3A_235, %mul3A_237, %dma_wait3A_240] : memref<512x512x192xf32, #tpu.memory_space<hbm>> -> memref<8x16x192xf32, #tpu.memory_space<hbm>>
    tpu.wait_dma2 semaphore(%arg11 : memref<!tpu.dma_semaphore, #tpu.memory_space<semaphore_mem>>) src(%dma_wait3A_241 : memref<8x16x192xf32, #tpu.memory_space<hbm>>) dst(%arg7 : memref<8x16x192xf32, #tpu.memory_space<vmem>>)
    %add3A_242 = arith.constant 39 : i32
    %add3A_243 = arith.addi %mul3A_2, %add3A_242 : i32
    %div3A_244 = arith.constant 64 : i32
    %div3A_245 = arith.divsi %add3A_243, %div3A_244 : i32
    %rem3A_246 = arith.constant 64 : i32
    %rem3A_247 = arith.remsi %add3A_243, %rem3A_246 : i32
    %div3A_248 = arith.constant 2 : i32
    %div3A_249 = arith.divsi %rem3A_247, %div3A_248 : i32
    %rem3A_250 = arith.constant 2 : i32
    %rem3A_251 = arith.remsi %rem3A_247, %rem3A_250 : i32
    %mul3A_252 = arith.constant 32 : i32
    %mul3A_253 = arith.muli %div3A_245, %mul3A_252 : i32
    %add3A_254 = arith.addi %mul3A_253, %div3A_249 : i32
    %mul3A_255 = arith.constant 8 : i32
    %mul3A_256 = arith.muli %rem3A_251, %mul3A_255 : i32
    %dma_start3A_257 = arith.constant 0 : i32
    %dma_start3A_258 = arith.constant 0 : i32
    %dma_start3A_259 = tpu.memref_slice %arg3[%add3A_254, %mul3A_256, %dma_start3A_257, %dma_start3A_258] : memref<1024x16x16x192xf32, #tpu.memory_space<hbm>> -> memref<1x8x16x192xf32, #tpu.memory_space<hbm>>
    %dma_start3A_260 = tpu.memref_squeeze %dma_start3A_259 : memref<1x8x16x192xf32, #tpu.memory_space<hbm>> -> memref<8x16x192xf32, #tpu.memory_space<hbm>>
    %dma_start3A_261 = arith.constant 0 : i32
    %dma_start3A_262 = arith.constant 0 : i32
    %dma_start3A_263 = tpu.memref_slice %arg3[%add3A_254, %mul3A_256, %dma_start3A_261, %dma_start3A_262] : memref<1024x16x16x192xf32, #tpu.memory_space<hbm>> -> memref<1x8x16x192xf32, #tpu.memory_space<hbm>>
    %dma_start3A_264 = tpu.memref_squeeze %dma_start3A_263 : memref<1x8x16x192xf32, #tpu.memory_space<hbm>> -> memref<8x16x192xf32, #tpu.memory_space<hbm>>
    tpu.enqueue_dma source(%arg7 : memref<8x16x192xf32, #tpu.memory_space<vmem>>) target(%dma_start3A_264 : memref<8x16x192xf32, #tpu.memory_space<hbm>>) target_semaphore(%arg15 : memref<!tpu.dma_semaphore, #tpu.memory_space<semaphore_mem>>)
    %add3A_265 = arith.constant 0 : i32
    %add3A_266 = arith.addi %mul3A_2, %add3A_265 : i32
    %div3A_267 = arith.constant 64 : i32
    %div3A_268 = arith.divsi %add3A_266, %div3A_267 : i32
    %rem3A_269 = arith.constant 64 : i32
    %rem3A_270 = arith.remsi %add3A_266, %rem3A_269 : i32
    %div3A_271 = arith.constant 2 : i32
    %div3A_272 = arith.divsi %rem3A_270, %div3A_271 : i32
    %rem3A_273 = arith.constant 2 : i32
    %rem3A_274 = arith.remsi %rem3A_270, %rem3A_273 : i32
    %mul3A_275 = arith.constant 32 : i32
    %mul3A_276 = arith.muli %div3A_268, %mul3A_275 : i32
    %add3A_277 = arith.addi %mul3A_276, %div3A_272 : i32
    %mul3A_278 = arith.constant 8 : i32
    %mul3A_279 = arith.muli %rem3A_274, %mul3A_278 : i32
    %dma_wait3A_280 = arith.constant 0 : i32
    %dma_wait3A_281 = arith.constant 0 : i32
    %dma_wait3A_282 = tpu.memref_slice %arg3[%add3A_277, %mul3A_279, %dma_wait3A_280, %dma_wait3A_281] : memref<1024x16x16x192xf32, #tpu.memory_space<hbm>> -> memref<1x8x16x192xf32, #tpu.memory_space<hbm>>
    %dma_wait3A_283 = tpu.memref_squeeze %dma_wait3A_282 : memref<1x8x16x192xf32, #tpu.memory_space<hbm>> -> memref<8x16x192xf32, #tpu.memory_space<hbm>>
    %dma_wait3A_284 = arith.constant 0 : i32
    %dma_wait3A_285 = arith.constant 0 : i32
    %dma_wait3A_286 = tpu.memref_slice %arg3[%add3A_277, %mul3A_279, %dma_wait3A_284, %dma_wait3A_285] : memref<1024x16x16x192xf32, #tpu.memory_space<hbm>> -> memref<1x8x16x192xf32, #tpu.memory_space<hbm>>
    %dma_wait3A_287 = tpu.memref_squeeze %dma_wait3A_286 : memref<1x8x16x192xf32, #tpu.memory_space<hbm>> -> memref<8x16x192xf32, #tpu.memory_space<hbm>>
    tpu.wait_dma2 semaphore(%arg12 : memref<!tpu.dma_semaphore, #tpu.memory_space<semaphore_mem>>) src(%arg4 : memref<8x16x192xf32, #tpu.memory_space<vmem>>) dst(%dma_wait3A_287 : memref<8x16x192xf32, #tpu.memory_space<hbm>>)
    %add3A_288 = arith.constant 0 : i32
    %add3A_289 = arith.addi %mul3A_2, %add3A_288 : i32
    %div3A_290 = arith.constant 64 : i32
    %div3A_291 = arith.divsi %add3A_289, %div3A_290 : i32
    %rem3A_292 = arith.constant 64 : i32
    %rem3A_293 = arith.remsi %add3A_289, %rem3A_292 : i32
    %div3A_294 = arith.constant 2 : i32
    %div3A_295 = arith.divsi %rem3A_293, %div3A_294 : i32
    %rem3A_296 = arith.constant 2 : i32
    %rem3A_297 = arith.remsi %rem3A_293, %rem3A_296 : i32
    %mul3A_298 = arith.constant 32 : i32
    %mul3A_299 = arith.muli %div3A_291, %mul3A_298 : i32
    %add3A_300 = arith.addi %mul3A_299, %div3A_295 : i32
    %mul3A_301 = arith.constant 8 : i32
    %mul3A_302 = arith.muli %rem3A_297, %mul3A_301 : i32
    %dma_wait3A_303 = arith.constant 0 : i32
    %dma_wait3A_304 = arith.constant 0 : i32
    %dma_wait3A_305 = tpu.memref_slice %arg3[%add3A_300, %mul3A_302, %dma_wait3A_303, %dma_wait3A_304] : memref<1024x16x16x192xf32, #tpu.memory_space<hbm>> -> memref<1x8x16x192xf32, #tpu.memory_space<hbm>>
    %dma_wait3A_306 = tpu.memref_squeeze %dma_wait3A_305 : memref<1x8x16x192xf32, #tpu.memory_space<hbm>> -> memref<8x16x192xf32, #tpu.memory_space<hbm>>
    %dma_wait3A_307 = arith.constant 0 : i32
    %dma_wait3A_308 = arith.constant 0 : i32
    %dma_wait3A_309 = tpu.memref_slice %arg3[%add3A_300, %mul3A_302, %dma_wait3A_307, %dma_wait3A_308] : memref<1024x16x16x192xf32, #tpu.memory_space<hbm>> -> memref<1x8x16x192xf32, #tpu.memory_space<hbm>>
    %dma_wait3A_310 = tpu.memref_squeeze %dma_wait3A_309 : memref<1x8x16x192xf32, #tpu.memory_space<hbm>> -> memref<8x16x192xf32, #tpu.memory_space<hbm>>
    tpu.wait_dma2 semaphore(%arg13 : memref<!tpu.dma_semaphore, #tpu.memory_space<semaphore_mem>>) src(%arg5 : memref<8x16x192xf32, #tpu.memory_space<vmem>>) dst(%dma_wait3A_310 : memref<8x16x192xf32, #tpu.memory_space<hbm>>)
    %add3A_311 = arith.constant 0 : i32
    %add3A_312 = arith.addi %mul3A_2, %add3A_311 : i32
    %div3A_313 = arith.constant 64 : i32
    %div3A_314 = arith.divsi %add3A_312, %div3A_313 : i32
    %rem3A_315 = arith.constant 64 : i32
    %rem3A_316 = arith.remsi %add3A_312, %rem3A_315 : i32
    %div3A_317 = arith.constant 2 : i32
    %div3A_318 = arith.divsi %rem3A_316, %div3A_317 : i32
    %rem3A_319 = arith.constant 2 : i32
    %rem3A_320 = arith.remsi %rem3A_316, %rem3A_319 : i32
    %mul3A_321 = arith.constant 32 : i32
    %mul3A_322 = arith.muli %div3A_314, %mul3A_321 : i32
    %add3A_323 = arith.addi %mul3A_322, %div3A_318 : i32
    %mul3A_324 = arith.constant 8 : i32
    %mul3A_325 = arith.muli %rem3A_320, %mul3A_324 : i32
    %dma_wait3A_326 = arith.constant 0 : i32
    %dma_wait3A_327 = arith.constant 0 : i32
    %dma_wait3A_328 = tpu.memref_slice %arg3[%add3A_323, %mul3A_325, %dma_wait3A_326, %dma_wait3A_327] : memref<1024x16x16x192xf32, #tpu.memory_space<hbm>> -> memref<1x8x16x192xf32, #tpu.memory_space<hbm>>
    %dma_wait3A_329 = tpu.memref_squeeze %dma_wait3A_328 : memref<1x8x16x192xf32, #tpu.memory_space<hbm>> -> memref<8x16x192xf32, #tpu.memory_space<hbm>>
    %dma_wait3A_330 = arith.constant 0 : i32
    %dma_wait3A_331 = arith.constant 0 : i32
    %dma_wait3A_332 = tpu.memref_slice %arg3[%add3A_323, %mul3A_325, %dma_wait3A_330, %dma_wait3A_331] : memref<1024x16x16x192xf32, #tpu.memory_space<hbm>> -> memref<1x8x16x192xf32, #tpu.memory_space<hbm>>
    %dma_wait3A_333 = tpu.memref_squeeze %dma_wait3A_332 : memref<1x8x16x192xf32, #tpu.memory_space<hbm>> -> memref<8x16x192xf32, #tpu.memory_space<hbm>>
    tpu.wait_dma2 semaphore(%arg14 : memref<!tpu.dma_semaphore, #tpu.memory_space<semaphore_mem>>) src(%arg6 : memref<8x16x192xf32, #tpu.memory_space<vmem>>) dst(%dma_wait3A_333 : memref<8x16x192xf32, #tpu.memory_space<hbm>>)
    %add3A_334 = arith.constant 0 : i32
    %add3A_335 = arith.addi %mul3A_2, %add3A_334 : i32
    %div3A_336 = arith.constant 64 : i32
    %div3A_337 = arith.divsi %add3A_335, %div3A_336 : i32
    %rem3A_338 = arith.constant 64 : i32
    %rem3A_339 = arith.remsi %add3A_335, %rem3A_338 : i32
    %div3A_340 = arith.constant 2 : i32
    %div3A_341 = arith.divsi %rem3A_339, %div3A_340 : i32
    %rem3A_342 = arith.constant 2 : i32
    %rem3A_343 = arith.remsi %rem3A_339, %rem3A_342 : i32
    %mul3A_344 = arith.constant 32 : i32
    %mul3A_345 = arith.muli %div3A_337, %mul3A_344 : i32
    %add3A_346 = arith.addi %mul3A_345, %div3A_341 : i32
    %mul3A_347 = arith.constant 8 : i32
    %mul3A_348 = arith.muli %rem3A_343, %mul3A_347 : i32
    %dma_wait3A_349 = arith.constant 0 : i32
    %dma_wait3A_350 = arith.constant 0 : i32
    %dma_wait3A_351 = tpu.memref_slice %arg3[%add3A_346, %mul3A_348, %dma_wait3A_349, %dma_wait3A_350] : memref<1024x16x16x192xf32, #tpu.memory_space<hbm>> -> memref<1x8x16x192xf32, #tpu.memory_space<hbm>>
    %dma_wait3A_352 = tpu.memref_squeeze %dma_wait3A_351 : memref<1x8x16x192xf32, #tpu.memory_space<hbm>> -> memref<8x16x192xf32, #tpu.memory_space<hbm>>
    %dma_wait3A_353 = arith.constant 0 : i32
    %dma_wait3A_354 = arith.constant 0 : i32
    %dma_wait3A_355 = tpu.memref_slice %arg3[%add3A_346, %mul3A_348, %dma_wait3A_353, %dma_wait3A_354] : memref<1024x16x16x192xf32, #tpu.memory_space<hbm>> -> memref<1x8x16x192xf32, #tpu.memory_space<hbm>>
    %dma_wait3A_356 = tpu.memref_squeeze %dma_wait3A_355 : memref<1x8x16x192xf32, #tpu.memory_space<hbm>> -> memref<8x16x192xf32, #tpu.memory_space<hbm>>
    tpu.wait_dma2 semaphore(%arg15 : memref<!tpu.dma_semaphore, #tpu.memory_space<semaphore_mem>>) src(%arg7 : memref<8x16x192xf32, #tpu.memory_space<vmem>>) dst(%dma_wait3A_356 : memref<8x16x192xf32, #tpu.memory_space<hbm>>)
    return
  }
}

module attributes {stable_mosaic.version = 14 : i64} {
  func.func @_tc_body(%arg0: i32, %arg1: memref<16x512x192xf32, #tpu.memory_space<vmem>>, %arg2: memref<1024x16x16x192xf32, #tpu.memory_space<any>>, %arg3: memref<1024x16x16x192xf32, #tpu.memory_space<any>>, %arg4: memref<!tpu.dma_semaphore, #tpu.memory_space<semaphore_mem>>) attributes {dimension_semantics = [#tpu.dimension_semantics<arbitrary>], iteration_bounds = array<i64: 12>, scalar_prefetch = 0 : i64, scratch_operands = 1 : i64, tpu.core_type = #tpu.core_type<tc>, window_params = [{transform_indices = @transform_0, window_bounds = array<i64: 16, 512, 192>}, {}, {}]} {
    %add3A = arith.constant 20 : i32
    %add3A_0 = arith.addi %add3A, %arg0 : i32
    %mul3A = arith.constant 32 : i32
    %mul3A_1 = arith.muli %add3A_0, %mul3A : i32
    %add3A_2 = arith.constant 0 : i32
    %add3A_3 = arith.addi %mul3A_1, %add3A_2 : i32
    %dma_start3A = arith.constant 0 : i32
    %dma_start3A_4 = arith.constant 0 : i32
    %dma_start3A_5 = arith.constant 0 : i32
    %dma_start3A_6 = tpu.memref_slice %arg3[%add3A_3, %dma_start3A, %dma_start3A_4, %dma_start3A_5] : memref<1024x16x16x192xf32, #tpu.memory_space<any>> -> memref<1x16x16x192xf32, #tpu.memory_space<any>>
    %dma_start3A_7 = tpu.memref_squeeze %dma_start3A_6 : memref<1x16x16x192xf32, #tpu.memory_space<any>> -> memref<16x16x192xf32, #tpu.memory_space<any>>
    %dma_start3A_8 = arith.constant 0 : i32
    %dma_start3A_9 = arith.constant 0 : i32
    %dma_start3A_10 = arith.constant 0 : i32
    %dma_start3A_11 = tpu.memref_slice %arg1[%dma_start3A_8, %dma_start3A_9, %dma_start3A_10] : memref<16x512x192xf32, #tpu.memory_space<vmem>> -> memref<16x16x192xf32, #tpu.memory_space<vmem>>
    tpu.enqueue_dma source(%dma_start3A_11 : memref<16x16x192xf32, #tpu.memory_space<vmem>>) target(%dma_start3A_7 : memref<16x16x192xf32, #tpu.memory_space<any>>) target_semaphore(%arg4 : memref<!tpu.dma_semaphore, #tpu.memory_space<semaphore_mem>>)
    %mul3A_12 = arith.constant 32 : i32
    %mul3A_13 = arith.muli %add3A_0, %mul3A_12 : i32
    %add3A_14 = arith.constant 1 : i32
    %add3A_15 = arith.addi %mul3A_13, %add3A_14 : i32
    %dma_start3A_16 = arith.constant 0 : i32
    %dma_start3A_17 = arith.constant 0 : i32
    %dma_start3A_18 = arith.constant 0 : i32
    %dma_start3A_19 = tpu.memref_slice %arg3[%add3A_15, %dma_start3A_16, %dma_start3A_17, %dma_start3A_18] : memref<1024x16x16x192xf32, #tpu.memory_space<any>> -> memref<1x16x16x192xf32, #tpu.memory_space<any>>
    %dma_start3A_20 = tpu.memref_squeeze %dma_start3A_19 : memref<1x16x16x192xf32, #tpu.memory_space<any>> -> memref<16x16x192xf32, #tpu.memory_space<any>>
    %dma_start3A_21 = arith.constant 0 : i32
    %dma_start3A_22 = arith.constant 16 : i32
    %dma_start3A_23 = arith.constant 0 : i32
    %dma_start3A_24 = tpu.memref_slice %arg1[%dma_start3A_21, %dma_start3A_22, %dma_start3A_23] : memref<16x512x192xf32, #tpu.memory_space<vmem>> -> memref<16x16x192xf32, #tpu.memory_space<vmem>>
    tpu.enqueue_dma source(%dma_start3A_24 : memref<16x16x192xf32, #tpu.memory_space<vmem>>) target(%dma_start3A_20 : memref<16x16x192xf32, #tpu.memory_space<any>>) target_semaphore(%arg4 : memref<!tpu.dma_semaphore, #tpu.memory_space<semaphore_mem>>)
    %mul3A_25 = arith.constant 32 : i32
    %mul3A_26 = arith.muli %add3A_0, %mul3A_25 : i32
    %add3A_27 = arith.constant 2 : i32
    %add3A_28 = arith.addi %mul3A_26, %add3A_27 : i32
    %dma_start3A_29 = arith.constant 0 : i32
    %dma_start3A_30 = arith.constant 0 : i32
    %dma_start3A_31 = arith.constant 0 : i32
    %dma_start3A_32 = tpu.memref_slice %arg3[%add3A_28, %dma_start3A_29, %dma_start3A_30, %dma_start3A_31] : memref<1024x16x16x192xf32, #tpu.memory_space<any>> -> memref<1x16x16x192xf32, #tpu.memory_space<any>>
    %dma_start3A_33 = tpu.memref_squeeze %dma_start3A_32 : memref<1x16x16x192xf32, #tpu.memory_space<any>> -> memref<16x16x192xf32, #tpu.memory_space<any>>
    %dma_start3A_34 = arith.constant 0 : i32
    %dma_start3A_35 = arith.constant 32 : i32
    %dma_start3A_36 = arith.constant 0 : i32
    %dma_start3A_37 = tpu.memref_slice %arg1[%dma_start3A_34, %dma_start3A_35, %dma_start3A_36] : memref<16x512x192xf32, #tpu.memory_space<vmem>> -> memref<16x16x192xf32, #tpu.memory_space<vmem>>
    tpu.enqueue_dma source(%dma_start3A_37 : memref<16x16x192xf32, #tpu.memory_space<vmem>>) target(%dma_start3A_33 : memref<16x16x192xf32, #tpu.memory_space<any>>) target_semaphore(%arg4 : memref<!tpu.dma_semaphore, #tpu.memory_space<semaphore_mem>>)
    %mul3A_38 = arith.constant 32 : i32
    %mul3A_39 = arith.muli %add3A_0, %mul3A_38 : i32
    %add3A_40 = arith.constant 3 : i32
    %add3A_41 = arith.addi %mul3A_39, %add3A_40 : i32
    %dma_start3A_42 = arith.constant 0 : i32
    %dma_start3A_43 = arith.constant 0 : i32
    %dma_start3A_44 = arith.constant 0 : i32
    %dma_start3A_45 = tpu.memref_slice %arg3[%add3A_41, %dma_start3A_42, %dma_start3A_43, %dma_start3A_44] : memref<1024x16x16x192xf32, #tpu.memory_space<any>> -> memref<1x16x16x192xf32, #tpu.memory_space<any>>
    %dma_start3A_46 = tpu.memref_squeeze %dma_start3A_45 : memref<1x16x16x192xf32, #tpu.memory_space<any>> -> memref<16x16x192xf32, #tpu.memory_space<any>>
    %dma_start3A_47 = arith.constant 0 : i32
    %dma_start3A_48 = arith.constant 48 : i32
    %dma_start3A_49 = arith.constant 0 : i32
    %dma_start3A_50 = tpu.memref_slice %arg1[%dma_start3A_47, %dma_start3A_48, %dma_start3A_49] : memref<16x512x192xf32, #tpu.memory_space<vmem>> -> memref<16x16x192xf32, #tpu.memory_space<vmem>>
    tpu.enqueue_dma source(%dma_start3A_50 : memref<16x16x192xf32, #tpu.memory_space<vmem>>) target(%dma_start3A_46 : memref<16x16x192xf32, #tpu.memory_space<any>>) target_semaphore(%arg4 : memref<!tpu.dma_semaphore, #tpu.memory_space<semaphore_mem>>)
    %mul3A_51 = arith.constant 32 : i32
    %mul3A_52 = arith.muli %add3A_0, %mul3A_51 : i32
    %add3A_53 = arith.constant 4 : i32
    %add3A_54 = arith.addi %mul3A_52, %add3A_53 : i32
    %dma_start3A_55 = arith.constant 0 : i32
    %dma_start3A_56 = arith.constant 0 : i32
    %dma_start3A_57 = arith.constant 0 : i32
    %dma_start3A_58 = tpu.memref_slice %arg3[%add3A_54, %dma_start3A_55, %dma_start3A_56, %dma_start3A_57] : memref<1024x16x16x192xf32, #tpu.memory_space<any>> -> memref<1x16x16x192xf32, #tpu.memory_space<any>>
    %dma_start3A_59 = tpu.memref_squeeze %dma_start3A_58 : memref<1x16x16x192xf32, #tpu.memory_space<any>> -> memref<16x16x192xf32, #tpu.memory_space<any>>
    %dma_start3A_60 = arith.constant 0 : i32
    %dma_start3A_61 = arith.constant 64 : i32
    %dma_start3A_62 = arith.constant 0 : i32
    %dma_start3A_63 = tpu.memref_slice %arg1[%dma_start3A_60, %dma_start3A_61, %dma_start3A_62] : memref<16x512x192xf32, #tpu.memory_space<vmem>> -> memref<16x16x192xf32, #tpu.memory_space<vmem>>
    tpu.enqueue_dma source(%dma_start3A_63 : memref<16x16x192xf32, #tpu.memory_space<vmem>>) target(%dma_start3A_59 : memref<16x16x192xf32, #tpu.memory_space<any>>) target_semaphore(%arg4 : memref<!tpu.dma_semaphore, #tpu.memory_space<semaphore_mem>>)
    %mul3A_64 = arith.constant 32 : i32
    %mul3A_65 = arith.muli %add3A_0, %mul3A_64 : i32
    %add3A_66 = arith.constant 5 : i32
    %add3A_67 = arith.addi %mul3A_65, %add3A_66 : i32
    %dma_start3A_68 = arith.constant 0 : i32
    %dma_start3A_69 = arith.constant 0 : i32
    %dma_start3A_70 = arith.constant 0 : i32
    %dma_start3A_71 = tpu.memref_slice %arg3[%add3A_67, %dma_start3A_68, %dma_start3A_69, %dma_start3A_70] : memref<1024x16x16x192xf32, #tpu.memory_space<any>> -> memref<1x16x16x192xf32, #tpu.memory_space<any>>
    %dma_start3A_72 = tpu.memref_squeeze %dma_start3A_71 : memref<1x16x16x192xf32, #tpu.memory_space<any>> -> memref<16x16x192xf32, #tpu.memory_space<any>>
    %dma_start3A_73 = arith.constant 0 : i32
    %dma_start3A_74 = arith.constant 80 : i32
    %dma_start3A_75 = arith.constant 0 : i32
    %dma_start3A_76 = tpu.memref_slice %arg1[%dma_start3A_73, %dma_start3A_74, %dma_start3A_75] : memref<16x512x192xf32, #tpu.memory_space<vmem>> -> memref<16x16x192xf32, #tpu.memory_space<vmem>>
    tpu.enqueue_dma source(%dma_start3A_76 : memref<16x16x192xf32, #tpu.memory_space<vmem>>) target(%dma_start3A_72 : memref<16x16x192xf32, #tpu.memory_space<any>>) target_semaphore(%arg4 : memref<!tpu.dma_semaphore, #tpu.memory_space<semaphore_mem>>)
    %mul3A_77 = arith.constant 32 : i32
    %mul3A_78 = arith.muli %add3A_0, %mul3A_77 : i32
    %add3A_79 = arith.constant 6 : i32
    %add3A_80 = arith.addi %mul3A_78, %add3A_79 : i32
    %dma_start3A_81 = arith.constant 0 : i32
    %dma_start3A_82 = arith.constant 0 : i32
    %dma_start3A_83 = arith.constant 0 : i32
    %dma_start3A_84 = tpu.memref_slice %arg3[%add3A_80, %dma_start3A_81, %dma_start3A_82, %dma_start3A_83] : memref<1024x16x16x192xf32, #tpu.memory_space<any>> -> memref<1x16x16x192xf32, #tpu.memory_space<any>>
    %dma_start3A_85 = tpu.memref_squeeze %dma_start3A_84 : memref<1x16x16x192xf32, #tpu.memory_space<any>> -> memref<16x16x192xf32, #tpu.memory_space<any>>
    %dma_start3A_86 = arith.constant 0 : i32
    %dma_start3A_87 = arith.constant 96 : i32
    %dma_start3A_88 = arith.constant 0 : i32
    %dma_start3A_89 = tpu.memref_slice %arg1[%dma_start3A_86, %dma_start3A_87, %dma_start3A_88] : memref<16x512x192xf32, #tpu.memory_space<vmem>> -> memref<16x16x192xf32, #tpu.memory_space<vmem>>
    tpu.enqueue_dma source(%dma_start3A_89 : memref<16x16x192xf32, #tpu.memory_space<vmem>>) target(%dma_start3A_85 : memref<16x16x192xf32, #tpu.memory_space<any>>) target_semaphore(%arg4 : memref<!tpu.dma_semaphore, #tpu.memory_space<semaphore_mem>>)
    %mul3A_90 = arith.constant 32 : i32
    %mul3A_91 = arith.muli %add3A_0, %mul3A_90 : i32
    %add3A_92 = arith.constant 7 : i32
    %add3A_93 = arith.addi %mul3A_91, %add3A_92 : i32
    %dma_start3A_94 = arith.constant 0 : i32
    %dma_start3A_95 = arith.constant 0 : i32
    %dma_start3A_96 = arith.constant 0 : i32
    %dma_start3A_97 = tpu.memref_slice %arg3[%add3A_93, %dma_start3A_94, %dma_start3A_95, %dma_start3A_96] : memref<1024x16x16x192xf32, #tpu.memory_space<any>> -> memref<1x16x16x192xf32, #tpu.memory_space<any>>
    %dma_start3A_98 = tpu.memref_squeeze %dma_start3A_97 : memref<1x16x16x192xf32, #tpu.memory_space<any>> -> memref<16x16x192xf32, #tpu.memory_space<any>>
    %dma_start3A_99 = arith.constant 0 : i32
    %dma_start3A_100 = arith.constant 112 : i32
    %dma_start3A_101 = arith.constant 0 : i32
    %dma_start3A_102 = tpu.memref_slice %arg1[%dma_start3A_99, %dma_start3A_100, %dma_start3A_101] : memref<16x512x192xf32, #tpu.memory_space<vmem>> -> memref<16x16x192xf32, #tpu.memory_space<vmem>>
    tpu.enqueue_dma source(%dma_start3A_102 : memref<16x16x192xf32, #tpu.memory_space<vmem>>) target(%dma_start3A_98 : memref<16x16x192xf32, #tpu.memory_space<any>>) target_semaphore(%arg4 : memref<!tpu.dma_semaphore, #tpu.memory_space<semaphore_mem>>)
    %mul3A_103 = arith.constant 32 : i32
    %mul3A_104 = arith.muli %add3A_0, %mul3A_103 : i32
    %add3A_105 = arith.constant 8 : i32
    %add3A_106 = arith.addi %mul3A_104, %add3A_105 : i32
    %dma_start3A_107 = arith.constant 0 : i32
    %dma_start3A_108 = arith.constant 0 : i32
    %dma_start3A_109 = arith.constant 0 : i32
    %dma_start3A_110 = tpu.memref_slice %arg3[%add3A_106, %dma_start3A_107, %dma_start3A_108, %dma_start3A_109] : memref<1024x16x16x192xf32, #tpu.memory_space<any>> -> memref<1x16x16x192xf32, #tpu.memory_space<any>>
    %dma_start3A_111 = tpu.memref_squeeze %dma_start3A_110 : memref<1x16x16x192xf32, #tpu.memory_space<any>> -> memref<16x16x192xf32, #tpu.memory_space<any>>
    %dma_start3A_112 = arith.constant 0 : i32
    %dma_start3A_113 = arith.constant 128 : i32
    %dma_start3A_114 = arith.constant 0 : i32
    %dma_start3A_115 = tpu.memref_slice %arg1[%dma_start3A_112, %dma_start3A_113, %dma_start3A_114] : memref<16x512x192xf32, #tpu.memory_space<vmem>> -> memref<16x16x192xf32, #tpu.memory_space<vmem>>
    tpu.enqueue_dma source(%dma_start3A_115 : memref<16x16x192xf32, #tpu.memory_space<vmem>>) target(%dma_start3A_111 : memref<16x16x192xf32, #tpu.memory_space<any>>) target_semaphore(%arg4 : memref<!tpu.dma_semaphore, #tpu.memory_space<semaphore_mem>>)
    %mul3A_116 = arith.constant 32 : i32
    %mul3A_117 = arith.muli %add3A_0, %mul3A_116 : i32
    %add3A_118 = arith.constant 9 : i32
    %add3A_119 = arith.addi %mul3A_117, %add3A_118 : i32
    %dma_start3A_120 = arith.constant 0 : i32
    %dma_start3A_121 = arith.constant 0 : i32
    %dma_start3A_122 = arith.constant 0 : i32
    %dma_start3A_123 = tpu.memref_slice %arg3[%add3A_119, %dma_start3A_120, %dma_start3A_121, %dma_start3A_122] : memref<1024x16x16x192xf32, #tpu.memory_space<any>> -> memref<1x16x16x192xf32, #tpu.memory_space<any>>
    %dma_start3A_124 = tpu.memref_squeeze %dma_start3A_123 : memref<1x16x16x192xf32, #tpu.memory_space<any>> -> memref<16x16x192xf32, #tpu.memory_space<any>>
    %dma_start3A_125 = arith.constant 0 : i32
    %dma_start3A_126 = arith.constant 144 : i32
    %dma_start3A_127 = arith.constant 0 : i32
    %dma_start3A_128 = tpu.memref_slice %arg1[%dma_start3A_125, %dma_start3A_126, %dma_start3A_127] : memref<16x512x192xf32, #tpu.memory_space<vmem>> -> memref<16x16x192xf32, #tpu.memory_space<vmem>>
    tpu.enqueue_dma source(%dma_start3A_128 : memref<16x16x192xf32, #tpu.memory_space<vmem>>) target(%dma_start3A_124 : memref<16x16x192xf32, #tpu.memory_space<any>>) target_semaphore(%arg4 : memref<!tpu.dma_semaphore, #tpu.memory_space<semaphore_mem>>)
    %mul3A_129 = arith.constant 32 : i32
    %mul3A_130 = arith.muli %add3A_0, %mul3A_129 : i32
    %add3A_131 = arith.constant 10 : i32
    %add3A_132 = arith.addi %mul3A_130, %add3A_131 : i32
    %dma_start3A_133 = arith.constant 0 : i32
    %dma_start3A_134 = arith.constant 0 : i32
    %dma_start3A_135 = arith.constant 0 : i32
    %dma_start3A_136 = tpu.memref_slice %arg3[%add3A_132, %dma_start3A_133, %dma_start3A_134, %dma_start3A_135] : memref<1024x16x16x192xf32, #tpu.memory_space<any>> -> memref<1x16x16x192xf32, #tpu.memory_space<any>>
    %dma_start3A_137 = tpu.memref_squeeze %dma_start3A_136 : memref<1x16x16x192xf32, #tpu.memory_space<any>> -> memref<16x16x192xf32, #tpu.memory_space<any>>
    %dma_start3A_138 = arith.constant 0 : i32
    %dma_start3A_139 = arith.constant 160 : i32
    %dma_start3A_140 = arith.constant 0 : i32
    %dma_start3A_141 = tpu.memref_slice %arg1[%dma_start3A_138, %dma_start3A_139, %dma_start3A_140] : memref<16x512x192xf32, #tpu.memory_space<vmem>> -> memref<16x16x192xf32, #tpu.memory_space<vmem>>
    tpu.enqueue_dma source(%dma_start3A_141 : memref<16x16x192xf32, #tpu.memory_space<vmem>>) target(%dma_start3A_137 : memref<16x16x192xf32, #tpu.memory_space<any>>) target_semaphore(%arg4 : memref<!tpu.dma_semaphore, #tpu.memory_space<semaphore_mem>>)
    %mul3A_142 = arith.constant 32 : i32
    %mul3A_143 = arith.muli %add3A_0, %mul3A_142 : i32
    %add3A_144 = arith.constant 11 : i32
    %add3A_145 = arith.addi %mul3A_143, %add3A_144 : i32
    %dma_start3A_146 = arith.constant 0 : i32
    %dma_start3A_147 = arith.constant 0 : i32
    %dma_start3A_148 = arith.constant 0 : i32
    %dma_start3A_149 = tpu.memref_slice %arg3[%add3A_145, %dma_start3A_146, %dma_start3A_147, %dma_start3A_148] : memref<1024x16x16x192xf32, #tpu.memory_space<any>> -> memref<1x16x16x192xf32, #tpu.memory_space<any>>
    %dma_start3A_150 = tpu.memref_squeeze %dma_start3A_149 : memref<1x16x16x192xf32, #tpu.memory_space<any>> -> memref<16x16x192xf32, #tpu.memory_space<any>>
    %dma_start3A_151 = arith.constant 0 : i32
    %dma_start3A_152 = arith.constant 176 : i32
    %dma_start3A_153 = arith.constant 0 : i32
    %dma_start3A_154 = tpu.memref_slice %arg1[%dma_start3A_151, %dma_start3A_152, %dma_start3A_153] : memref<16x512x192xf32, #tpu.memory_space<vmem>> -> memref<16x16x192xf32, #tpu.memory_space<vmem>>
    tpu.enqueue_dma source(%dma_start3A_154 : memref<16x16x192xf32, #tpu.memory_space<vmem>>) target(%dma_start3A_150 : memref<16x16x192xf32, #tpu.memory_space<any>>) target_semaphore(%arg4 : memref<!tpu.dma_semaphore, #tpu.memory_space<semaphore_mem>>)
    %mul3A_155 = arith.constant 32 : i32
    %mul3A_156 = arith.muli %add3A_0, %mul3A_155 : i32
    %add3A_157 = arith.constant 12 : i32
    %add3A_158 = arith.addi %mul3A_156, %add3A_157 : i32
    %dma_start3A_159 = arith.constant 0 : i32
    %dma_start3A_160 = arith.constant 0 : i32
    %dma_start3A_161 = arith.constant 0 : i32
    %dma_start3A_162 = tpu.memref_slice %arg3[%add3A_158, %dma_start3A_159, %dma_start3A_160, %dma_start3A_161] : memref<1024x16x16x192xf32, #tpu.memory_space<any>> -> memref<1x16x16x192xf32, #tpu.memory_space<any>>
    %dma_start3A_163 = tpu.memref_squeeze %dma_start3A_162 : memref<1x16x16x192xf32, #tpu.memory_space<any>> -> memref<16x16x192xf32, #tpu.memory_space<any>>
    %dma_start3A_164 = arith.constant 0 : i32
    %dma_start3A_165 = arith.constant 192 : i32
    %dma_start3A_166 = arith.constant 0 : i32
    %dma_start3A_167 = tpu.memref_slice %arg1[%dma_start3A_164, %dma_start3A_165, %dma_start3A_166] : memref<16x512x192xf32, #tpu.memory_space<vmem>> -> memref<16x16x192xf32, #tpu.memory_space<vmem>>
    tpu.enqueue_dma source(%dma_start3A_167 : memref<16x16x192xf32, #tpu.memory_space<vmem>>) target(%dma_start3A_163 : memref<16x16x192xf32, #tpu.memory_space<any>>) target_semaphore(%arg4 : memref<!tpu.dma_semaphore, #tpu.memory_space<semaphore_mem>>)
    %mul3A_168 = arith.constant 32 : i32
    %mul3A_169 = arith.muli %add3A_0, %mul3A_168 : i32
    %add3A_170 = arith.constant 13 : i32
    %add3A_171 = arith.addi %mul3A_169, %add3A_170 : i32
    %dma_start3A_172 = arith.constant 0 : i32
    %dma_start3A_173 = arith.constant 0 : i32
    %dma_start3A_174 = arith.constant 0 : i32
    %dma_start3A_175 = tpu.memref_slice %arg3[%add3A_171, %dma_start3A_172, %dma_start3A_173, %dma_start3A_174] : memref<1024x16x16x192xf32, #tpu.memory_space<any>> -> memref<1x16x16x192xf32, #tpu.memory_space<any>>
    %dma_start3A_176 = tpu.memref_squeeze %dma_start3A_175 : memref<1x16x16x192xf32, #tpu.memory_space<any>> -> memref<16x16x192xf32, #tpu.memory_space<any>>
    %dma_start3A_177 = arith.constant 0 : i32
    %dma_start3A_178 = arith.constant 208 : i32
    %dma_start3A_179 = arith.constant 0 : i32
    %dma_start3A_180 = tpu.memref_slice %arg1[%dma_start3A_177, %dma_start3A_178, %dma_start3A_179] : memref<16x512x192xf32, #tpu.memory_space<vmem>> -> memref<16x16x192xf32, #tpu.memory_space<vmem>>
    tpu.enqueue_dma source(%dma_start3A_180 : memref<16x16x192xf32, #tpu.memory_space<vmem>>) target(%dma_start3A_176 : memref<16x16x192xf32, #tpu.memory_space<any>>) target_semaphore(%arg4 : memref<!tpu.dma_semaphore, #tpu.memory_space<semaphore_mem>>)
    %mul3A_181 = arith.constant 32 : i32
    %mul3A_182 = arith.muli %add3A_0, %mul3A_181 : i32
    %add3A_183 = arith.constant 14 : i32
    %add3A_184 = arith.addi %mul3A_182, %add3A_183 : i32
    %dma_start3A_185 = arith.constant 0 : i32
    %dma_start3A_186 = arith.constant 0 : i32
    %dma_start3A_187 = arith.constant 0 : i32
    %dma_start3A_188 = tpu.memref_slice %arg3[%add3A_184, %dma_start3A_185, %dma_start3A_186, %dma_start3A_187] : memref<1024x16x16x192xf32, #tpu.memory_space<any>> -> memref<1x16x16x192xf32, #tpu.memory_space<any>>
    %dma_start3A_189 = tpu.memref_squeeze %dma_start3A_188 : memref<1x16x16x192xf32, #tpu.memory_space<any>> -> memref<16x16x192xf32, #tpu.memory_space<any>>
    %dma_start3A_190 = arith.constant 0 : i32
    %dma_start3A_191 = arith.constant 224 : i32
    %dma_start3A_192 = arith.constant 0 : i32
    %dma_start3A_193 = tpu.memref_slice %arg1[%dma_start3A_190, %dma_start3A_191, %dma_start3A_192] : memref<16x512x192xf32, #tpu.memory_space<vmem>> -> memref<16x16x192xf32, #tpu.memory_space<vmem>>
    tpu.enqueue_dma source(%dma_start3A_193 : memref<16x16x192xf32, #tpu.memory_space<vmem>>) target(%dma_start3A_189 : memref<16x16x192xf32, #tpu.memory_space<any>>) target_semaphore(%arg4 : memref<!tpu.dma_semaphore, #tpu.memory_space<semaphore_mem>>)
    %mul3A_194 = arith.constant 32 : i32
    %mul3A_195 = arith.muli %add3A_0, %mul3A_194 : i32
    %add3A_196 = arith.constant 15 : i32
    %add3A_197 = arith.addi %mul3A_195, %add3A_196 : i32
    %dma_start3A_198 = arith.constant 0 : i32
    %dma_start3A_199 = arith.constant 0 : i32
    %dma_start3A_200 = arith.constant 0 : i32
    %dma_start3A_201 = tpu.memref_slice %arg3[%add3A_197, %dma_start3A_198, %dma_start3A_199, %dma_start3A_200] : memref<1024x16x16x192xf32, #tpu.memory_space<any>> -> memref<1x16x16x192xf32, #tpu.memory_space<any>>
    %dma_start3A_202 = tpu.memref_squeeze %dma_start3A_201 : memref<1x16x16x192xf32, #tpu.memory_space<any>> -> memref<16x16x192xf32, #tpu.memory_space<any>>
    %dma_start3A_203 = arith.constant 0 : i32
    %dma_start3A_204 = arith.constant 240 : i32
    %dma_start3A_205 = arith.constant 0 : i32
    %dma_start3A_206 = tpu.memref_slice %arg1[%dma_start3A_203, %dma_start3A_204, %dma_start3A_205] : memref<16x512x192xf32, #tpu.memory_space<vmem>> -> memref<16x16x192xf32, #tpu.memory_space<vmem>>
    tpu.enqueue_dma source(%dma_start3A_206 : memref<16x16x192xf32, #tpu.memory_space<vmem>>) target(%dma_start3A_202 : memref<16x16x192xf32, #tpu.memory_space<any>>) target_semaphore(%arg4 : memref<!tpu.dma_semaphore, #tpu.memory_space<semaphore_mem>>)
    %mul3A_207 = arith.constant 32 : i32
    %mul3A_208 = arith.muli %add3A_0, %mul3A_207 : i32
    %add3A_209 = arith.constant 16 : i32
    %add3A_210 = arith.addi %mul3A_208, %add3A_209 : i32
    %dma_start3A_211 = arith.constant 0 : i32
    %dma_start3A_212 = arith.constant 0 : i32
    %dma_start3A_213 = arith.constant 0 : i32
    %dma_start3A_214 = tpu.memref_slice %arg3[%add3A_210, %dma_start3A_211, %dma_start3A_212, %dma_start3A_213] : memref<1024x16x16x192xf32, #tpu.memory_space<any>> -> memref<1x16x16x192xf32, #tpu.memory_space<any>>
    %dma_start3A_215 = tpu.memref_squeeze %dma_start3A_214 : memref<1x16x16x192xf32, #tpu.memory_space<any>> -> memref<16x16x192xf32, #tpu.memory_space<any>>
    %dma_start3A_216 = arith.constant 0 : i32
    %dma_start3A_217 = arith.constant 256 : i32
    %dma_start3A_218 = arith.constant 0 : i32
    %dma_start3A_219 = tpu.memref_slice %arg1[%dma_start3A_216, %dma_start3A_217, %dma_start3A_218] : memref<16x512x192xf32, #tpu.memory_space<vmem>> -> memref<16x16x192xf32, #tpu.memory_space<vmem>>
    tpu.enqueue_dma source(%dma_start3A_219 : memref<16x16x192xf32, #tpu.memory_space<vmem>>) target(%dma_start3A_215 : memref<16x16x192xf32, #tpu.memory_space<any>>) target_semaphore(%arg4 : memref<!tpu.dma_semaphore, #tpu.memory_space<semaphore_mem>>)
    %mul3A_220 = arith.constant 32 : i32
    %mul3A_221 = arith.muli %add3A_0, %mul3A_220 : i32
    %add3A_222 = arith.constant 17 : i32
    %add3A_223 = arith.addi %mul3A_221, %add3A_222 : i32
    %dma_start3A_224 = arith.constant 0 : i32
    %dma_start3A_225 = arith.constant 0 : i32
    %dma_start3A_226 = arith.constant 0 : i32
    %dma_start3A_227 = tpu.memref_slice %arg3[%add3A_223, %dma_start3A_224, %dma_start3A_225, %dma_start3A_226] : memref<1024x16x16x192xf32, #tpu.memory_space<any>> -> memref<1x16x16x192xf32, #tpu.memory_space<any>>
    %dma_start3A_228 = tpu.memref_squeeze %dma_start3A_227 : memref<1x16x16x192xf32, #tpu.memory_space<any>> -> memref<16x16x192xf32, #tpu.memory_space<any>>
    %dma_start3A_229 = arith.constant 0 : i32
    %dma_start3A_230 = arith.constant 272 : i32
    %dma_start3A_231 = arith.constant 0 : i32
    %dma_start3A_232 = tpu.memref_slice %arg1[%dma_start3A_229, %dma_start3A_230, %dma_start3A_231] : memref<16x512x192xf32, #tpu.memory_space<vmem>> -> memref<16x16x192xf32, #tpu.memory_space<vmem>>
    tpu.enqueue_dma source(%dma_start3A_232 : memref<16x16x192xf32, #tpu.memory_space<vmem>>) target(%dma_start3A_228 : memref<16x16x192xf32, #tpu.memory_space<any>>) target_semaphore(%arg4 : memref<!tpu.dma_semaphore, #tpu.memory_space<semaphore_mem>>)
    %mul3A_233 = arith.constant 32 : i32
    %mul3A_234 = arith.muli %add3A_0, %mul3A_233 : i32
    %add3A_235 = arith.constant 18 : i32
    %add3A_236 = arith.addi %mul3A_234, %add3A_235 : i32
    %dma_start3A_237 = arith.constant 0 : i32
    %dma_start3A_238 = arith.constant 0 : i32
    %dma_start3A_239 = arith.constant 0 : i32
    %dma_start3A_240 = tpu.memref_slice %arg3[%add3A_236, %dma_start3A_237, %dma_start3A_238, %dma_start3A_239] : memref<1024x16x16x192xf32, #tpu.memory_space<any>> -> memref<1x16x16x192xf32, #tpu.memory_space<any>>
    %dma_start3A_241 = tpu.memref_squeeze %dma_start3A_240 : memref<1x16x16x192xf32, #tpu.memory_space<any>> -> memref<16x16x192xf32, #tpu.memory_space<any>>
    %dma_start3A_242 = arith.constant 0 : i32
    %dma_start3A_243 = arith.constant 288 : i32
    %dma_start3A_244 = arith.constant 0 : i32
    %dma_start3A_245 = tpu.memref_slice %arg1[%dma_start3A_242, %dma_start3A_243, %dma_start3A_244] : memref<16x512x192xf32, #tpu.memory_space<vmem>> -> memref<16x16x192xf32, #tpu.memory_space<vmem>>
    tpu.enqueue_dma source(%dma_start3A_245 : memref<16x16x192xf32, #tpu.memory_space<vmem>>) target(%dma_start3A_241 : memref<16x16x192xf32, #tpu.memory_space<any>>) target_semaphore(%arg4 : memref<!tpu.dma_semaphore, #tpu.memory_space<semaphore_mem>>)
    %mul3A_246 = arith.constant 32 : i32
    %mul3A_247 = arith.muli %add3A_0, %mul3A_246 : i32
    %add3A_248 = arith.constant 19 : i32
    %add3A_249 = arith.addi %mul3A_247, %add3A_248 : i32
    %dma_start3A_250 = arith.constant 0 : i32
    %dma_start3A_251 = arith.constant 0 : i32
    %dma_start3A_252 = arith.constant 0 : i32
    %dma_start3A_253 = tpu.memref_slice %arg3[%add3A_249, %dma_start3A_250, %dma_start3A_251, %dma_start3A_252] : memref<1024x16x16x192xf32, #tpu.memory_space<any>> -> memref<1x16x16x192xf32, #tpu.memory_space<any>>
    %dma_start3A_254 = tpu.memref_squeeze %dma_start3A_253 : memref<1x16x16x192xf32, #tpu.memory_space<any>> -> memref<16x16x192xf32, #tpu.memory_space<any>>
    %dma_start3A_255 = arith.constant 0 : i32
    %dma_start3A_256 = arith.constant 304 : i32
    %dma_start3A_257 = arith.constant 0 : i32
    %dma_start3A_258 = tpu.memref_slice %arg1[%dma_start3A_255, %dma_start3A_256, %dma_start3A_257] : memref<16x512x192xf32, #tpu.memory_space<vmem>> -> memref<16x16x192xf32, #tpu.memory_space<vmem>>
    tpu.enqueue_dma source(%dma_start3A_258 : memref<16x16x192xf32, #tpu.memory_space<vmem>>) target(%dma_start3A_254 : memref<16x16x192xf32, #tpu.memory_space<any>>) target_semaphore(%arg4 : memref<!tpu.dma_semaphore, #tpu.memory_space<semaphore_mem>>)
    %mul3A_259 = arith.constant 32 : i32
    %mul3A_260 = arith.muli %add3A_0, %mul3A_259 : i32
    %add3A_261 = arith.constant 20 : i32
    %add3A_262 = arith.addi %mul3A_260, %add3A_261 : i32
    %dma_start3A_263 = arith.constant 0 : i32
    %dma_start3A_264 = arith.constant 0 : i32
    %dma_start3A_265 = arith.constant 0 : i32
    %dma_start3A_266 = tpu.memref_slice %arg3[%add3A_262, %dma_start3A_263, %dma_start3A_264, %dma_start3A_265] : memref<1024x16x16x192xf32, #tpu.memory_space<any>> -> memref<1x16x16x192xf32, #tpu.memory_space<any>>
    %dma_start3A_267 = tpu.memref_squeeze %dma_start3A_266 : memref<1x16x16x192xf32, #tpu.memory_space<any>> -> memref<16x16x192xf32, #tpu.memory_space<any>>
    %dma_start3A_268 = arith.constant 0 : i32
    %dma_start3A_269 = arith.constant 320 : i32
    %dma_start3A_270 = arith.constant 0 : i32
    %dma_start3A_271 = tpu.memref_slice %arg1[%dma_start3A_268, %dma_start3A_269, %dma_start3A_270] : memref<16x512x192xf32, #tpu.memory_space<vmem>> -> memref<16x16x192xf32, #tpu.memory_space<vmem>>
    tpu.enqueue_dma source(%dma_start3A_271 : memref<16x16x192xf32, #tpu.memory_space<vmem>>) target(%dma_start3A_267 : memref<16x16x192xf32, #tpu.memory_space<any>>) target_semaphore(%arg4 : memref<!tpu.dma_semaphore, #tpu.memory_space<semaphore_mem>>)
    %mul3A_272 = arith.constant 32 : i32
    %mul3A_273 = arith.muli %add3A_0, %mul3A_272 : i32
    %add3A_274 = arith.constant 21 : i32
    %add3A_275 = arith.addi %mul3A_273, %add3A_274 : i32
    %dma_start3A_276 = arith.constant 0 : i32
    %dma_start3A_277 = arith.constant 0 : i32
    %dma_start3A_278 = arith.constant 0 : i32
    %dma_start3A_279 = tpu.memref_slice %arg3[%add3A_275, %dma_start3A_276, %dma_start3A_277, %dma_start3A_278] : memref<1024x16x16x192xf32, #tpu.memory_space<any>> -> memref<1x16x16x192xf32, #tpu.memory_space<any>>
    %dma_start3A_280 = tpu.memref_squeeze %dma_start3A_279 : memref<1x16x16x192xf32, #tpu.memory_space<any>> -> memref<16x16x192xf32, #tpu.memory_space<any>>
    %dma_start3A_281 = arith.constant 0 : i32
    %dma_start3A_282 = arith.constant 336 : i32
    %dma_start3A_283 = arith.constant 0 : i32
    %dma_start3A_284 = tpu.memref_slice %arg1[%dma_start3A_281, %dma_start3A_282, %dma_start3A_283] : memref<16x512x192xf32, #tpu.memory_space<vmem>> -> memref<16x16x192xf32, #tpu.memory_space<vmem>>
    tpu.enqueue_dma source(%dma_start3A_284 : memref<16x16x192xf32, #tpu.memory_space<vmem>>) target(%dma_start3A_280 : memref<16x16x192xf32, #tpu.memory_space<any>>) target_semaphore(%arg4 : memref<!tpu.dma_semaphore, #tpu.memory_space<semaphore_mem>>)
    %mul3A_285 = arith.constant 32 : i32
    %mul3A_286 = arith.muli %add3A_0, %mul3A_285 : i32
    %add3A_287 = arith.constant 22 : i32
    %add3A_288 = arith.addi %mul3A_286, %add3A_287 : i32
    %dma_start3A_289 = arith.constant 0 : i32
    %dma_start3A_290 = arith.constant 0 : i32
    %dma_start3A_291 = arith.constant 0 : i32
    %dma_start3A_292 = tpu.memref_slice %arg3[%add3A_288, %dma_start3A_289, %dma_start3A_290, %dma_start3A_291] : memref<1024x16x16x192xf32, #tpu.memory_space<any>> -> memref<1x16x16x192xf32, #tpu.memory_space<any>>
    %dma_start3A_293 = tpu.memref_squeeze %dma_start3A_292 : memref<1x16x16x192xf32, #tpu.memory_space<any>> -> memref<16x16x192xf32, #tpu.memory_space<any>>
    %dma_start3A_294 = arith.constant 0 : i32
    %dma_start3A_295 = arith.constant 352 : i32
    %dma_start3A_296 = arith.constant 0 : i32
    %dma_start3A_297 = tpu.memref_slice %arg1[%dma_start3A_294, %dma_start3A_295, %dma_start3A_296] : memref<16x512x192xf32, #tpu.memory_space<vmem>> -> memref<16x16x192xf32, #tpu.memory_space<vmem>>
    tpu.enqueue_dma source(%dma_start3A_297 : memref<16x16x192xf32, #tpu.memory_space<vmem>>) target(%dma_start3A_293 : memref<16x16x192xf32, #tpu.memory_space<any>>) target_semaphore(%arg4 : memref<!tpu.dma_semaphore, #tpu.memory_space<semaphore_mem>>)
    %mul3A_298 = arith.constant 32 : i32
    %mul3A_299 = arith.muli %add3A_0, %mul3A_298 : i32
    %add3A_300 = arith.constant 23 : i32
    %add3A_301 = arith.addi %mul3A_299, %add3A_300 : i32
    %dma_start3A_302 = arith.constant 0 : i32
    %dma_start3A_303 = arith.constant 0 : i32
    %dma_start3A_304 = arith.constant 0 : i32
    %dma_start3A_305 = tpu.memref_slice %arg3[%add3A_301, %dma_start3A_302, %dma_start3A_303, %dma_start3A_304] : memref<1024x16x16x192xf32, #tpu.memory_space<any>> -> memref<1x16x16x192xf32, #tpu.memory_space<any>>
    %dma_start3A_306 = tpu.memref_squeeze %dma_start3A_305 : memref<1x16x16x192xf32, #tpu.memory_space<any>> -> memref<16x16x192xf32, #tpu.memory_space<any>>
    %dma_start3A_307 = arith.constant 0 : i32
    %dma_start3A_308 = arith.constant 368 : i32
    %dma_start3A_309 = arith.constant 0 : i32
    %dma_start3A_310 = tpu.memref_slice %arg1[%dma_start3A_307, %dma_start3A_308, %dma_start3A_309] : memref<16x512x192xf32, #tpu.memory_space<vmem>> -> memref<16x16x192xf32, #tpu.memory_space<vmem>>
    tpu.enqueue_dma source(%dma_start3A_310 : memref<16x16x192xf32, #tpu.memory_space<vmem>>) target(%dma_start3A_306 : memref<16x16x192xf32, #tpu.memory_space<any>>) target_semaphore(%arg4 : memref<!tpu.dma_semaphore, #tpu.memory_space<semaphore_mem>>)
    %mul3A_311 = arith.constant 32 : i32
    %mul3A_312 = arith.muli %add3A_0, %mul3A_311 : i32
    %add3A_313 = arith.constant 24 : i32
    %add3A_314 = arith.addi %mul3A_312, %add3A_313 : i32
    %dma_start3A_315 = arith.constant 0 : i32
    %dma_start3A_316 = arith.constant 0 : i32
    %dma_start3A_317 = arith.constant 0 : i32
    %dma_start3A_318 = tpu.memref_slice %arg3[%add3A_314, %dma_start3A_315, %dma_start3A_316, %dma_start3A_317] : memref<1024x16x16x192xf32, #tpu.memory_space<any>> -> memref<1x16x16x192xf32, #tpu.memory_space<any>>
    %dma_start3A_319 = tpu.memref_squeeze %dma_start3A_318 : memref<1x16x16x192xf32, #tpu.memory_space<any>> -> memref<16x16x192xf32, #tpu.memory_space<any>>
    %dma_start3A_320 = arith.constant 0 : i32
    %dma_start3A_321 = arith.constant 384 : i32
    %dma_start3A_322 = arith.constant 0 : i32
    %dma_start3A_323 = tpu.memref_slice %arg1[%dma_start3A_320, %dma_start3A_321, %dma_start3A_322] : memref<16x512x192xf32, #tpu.memory_space<vmem>> -> memref<16x16x192xf32, #tpu.memory_space<vmem>>
    tpu.enqueue_dma source(%dma_start3A_323 : memref<16x16x192xf32, #tpu.memory_space<vmem>>) target(%dma_start3A_319 : memref<16x16x192xf32, #tpu.memory_space<any>>) target_semaphore(%arg4 : memref<!tpu.dma_semaphore, #tpu.memory_space<semaphore_mem>>)
    %mul3A_324 = arith.constant 32 : i32
    %mul3A_325 = arith.muli %add3A_0, %mul3A_324 : i32
    %add3A_326 = arith.constant 25 : i32
    %add3A_327 = arith.addi %mul3A_325, %add3A_326 : i32
    %dma_start3A_328 = arith.constant 0 : i32
    %dma_start3A_329 = arith.constant 0 : i32
    %dma_start3A_330 = arith.constant 0 : i32
    %dma_start3A_331 = tpu.memref_slice %arg3[%add3A_327, %dma_start3A_328, %dma_start3A_329, %dma_start3A_330] : memref<1024x16x16x192xf32, #tpu.memory_space<any>> -> memref<1x16x16x192xf32, #tpu.memory_space<any>>
    %dma_start3A_332 = tpu.memref_squeeze %dma_start3A_331 : memref<1x16x16x192xf32, #tpu.memory_space<any>> -> memref<16x16x192xf32, #tpu.memory_space<any>>
    %dma_start3A_333 = arith.constant 0 : i32
    %dma_start3A_334 = arith.constant 400 : i32
    %dma_start3A_335 = arith.constant 0 : i32
    %dma_start3A_336 = tpu.memref_slice %arg1[%dma_start3A_333, %dma_start3A_334, %dma_start3A_335] : memref<16x512x192xf32, #tpu.memory_space<vmem>> -> memref<16x16x192xf32, #tpu.memory_space<vmem>>
    tpu.enqueue_dma source(%dma_start3A_336 : memref<16x16x192xf32, #tpu.memory_space<vmem>>) target(%dma_start3A_332 : memref<16x16x192xf32, #tpu.memory_space<any>>) target_semaphore(%arg4 : memref<!tpu.dma_semaphore, #tpu.memory_space<semaphore_mem>>)
    %mul3A_337 = arith.constant 32 : i32
    %mul3A_338 = arith.muli %add3A_0, %mul3A_337 : i32
    %add3A_339 = arith.constant 26 : i32
    %add3A_340 = arith.addi %mul3A_338, %add3A_339 : i32
    %dma_start3A_341 = arith.constant 0 : i32
    %dma_start3A_342 = arith.constant 0 : i32
    %dma_start3A_343 = arith.constant 0 : i32
    %dma_start3A_344 = tpu.memref_slice %arg3[%add3A_340, %dma_start3A_341, %dma_start3A_342, %dma_start3A_343] : memref<1024x16x16x192xf32, #tpu.memory_space<any>> -> memref<1x16x16x192xf32, #tpu.memory_space<any>>
    %dma_start3A_345 = tpu.memref_squeeze %dma_start3A_344 : memref<1x16x16x192xf32, #tpu.memory_space<any>> -> memref<16x16x192xf32, #tpu.memory_space<any>>
    %dma_start3A_346 = arith.constant 0 : i32
    %dma_start3A_347 = arith.constant 416 : i32
    %dma_start3A_348 = arith.constant 0 : i32
    %dma_start3A_349 = tpu.memref_slice %arg1[%dma_start3A_346, %dma_start3A_347, %dma_start3A_348] : memref<16x512x192xf32, #tpu.memory_space<vmem>> -> memref<16x16x192xf32, #tpu.memory_space<vmem>>
    tpu.enqueue_dma source(%dma_start3A_349 : memref<16x16x192xf32, #tpu.memory_space<vmem>>) target(%dma_start3A_345 : memref<16x16x192xf32, #tpu.memory_space<any>>) target_semaphore(%arg4 : memref<!tpu.dma_semaphore, #tpu.memory_space<semaphore_mem>>)
    %mul3A_350 = arith.constant 32 : i32
    %mul3A_351 = arith.muli %add3A_0, %mul3A_350 : i32
    %add3A_352 = arith.constant 27 : i32
    %add3A_353 = arith.addi %mul3A_351, %add3A_352 : i32
    %dma_start3A_354 = arith.constant 0 : i32
    %dma_start3A_355 = arith.constant 0 : i32
    %dma_start3A_356 = arith.constant 0 : i32
    %dma_start3A_357 = tpu.memref_slice %arg3[%add3A_353, %dma_start3A_354, %dma_start3A_355, %dma_start3A_356] : memref<1024x16x16x192xf32, #tpu.memory_space<any>> -> memref<1x16x16x192xf32, #tpu.memory_space<any>>
    %dma_start3A_358 = tpu.memref_squeeze %dma_start3A_357 : memref<1x16x16x192xf32, #tpu.memory_space<any>> -> memref<16x16x192xf32, #tpu.memory_space<any>>
    %dma_start3A_359 = arith.constant 0 : i32
    %dma_start3A_360 = arith.constant 432 : i32
    %dma_start3A_361 = arith.constant 0 : i32
    %dma_start3A_362 = tpu.memref_slice %arg1[%dma_start3A_359, %dma_start3A_360, %dma_start3A_361] : memref<16x512x192xf32, #tpu.memory_space<vmem>> -> memref<16x16x192xf32, #tpu.memory_space<vmem>>
    tpu.enqueue_dma source(%dma_start3A_362 : memref<16x16x192xf32, #tpu.memory_space<vmem>>) target(%dma_start3A_358 : memref<16x16x192xf32, #tpu.memory_space<any>>) target_semaphore(%arg4 : memref<!tpu.dma_semaphore, #tpu.memory_space<semaphore_mem>>)
    %mul3A_363 = arith.constant 32 : i32
    %mul3A_364 = arith.muli %add3A_0, %mul3A_363 : i32
    %add3A_365 = arith.constant 28 : i32
    %add3A_366 = arith.addi %mul3A_364, %add3A_365 : i32
    %dma_start3A_367 = arith.constant 0 : i32
    %dma_start3A_368 = arith.constant 0 : i32
    %dma_start3A_369 = arith.constant 0 : i32
    %dma_start3A_370 = tpu.memref_slice %arg3[%add3A_366, %dma_start3A_367, %dma_start3A_368, %dma_start3A_369] : memref<1024x16x16x192xf32, #tpu.memory_space<any>> -> memref<1x16x16x192xf32, #tpu.memory_space<any>>
    %dma_start3A_371 = tpu.memref_squeeze %dma_start3A_370 : memref<1x16x16x192xf32, #tpu.memory_space<any>> -> memref<16x16x192xf32, #tpu.memory_space<any>>
    %dma_start3A_372 = arith.constant 0 : i32
    %dma_start3A_373 = arith.constant 448 : i32
    %dma_start3A_374 = arith.constant 0 : i32
    %dma_start3A_375 = tpu.memref_slice %arg1[%dma_start3A_372, %dma_start3A_373, %dma_start3A_374] : memref<16x512x192xf32, #tpu.memory_space<vmem>> -> memref<16x16x192xf32, #tpu.memory_space<vmem>>
    tpu.enqueue_dma source(%dma_start3A_375 : memref<16x16x192xf32, #tpu.memory_space<vmem>>) target(%dma_start3A_371 : memref<16x16x192xf32, #tpu.memory_space<any>>) target_semaphore(%arg4 : memref<!tpu.dma_semaphore, #tpu.memory_space<semaphore_mem>>)
    %mul3A_376 = arith.constant 32 : i32
    %mul3A_377 = arith.muli %add3A_0, %mul3A_376 : i32
    %add3A_378 = arith.constant 29 : i32
    %add3A_379 = arith.addi %mul3A_377, %add3A_378 : i32
    %dma_start3A_380 = arith.constant 0 : i32
    %dma_start3A_381 = arith.constant 0 : i32
    %dma_start3A_382 = arith.constant 0 : i32
    %dma_start3A_383 = tpu.memref_slice %arg3[%add3A_379, %dma_start3A_380, %dma_start3A_381, %dma_start3A_382] : memref<1024x16x16x192xf32, #tpu.memory_space<any>> -> memref<1x16x16x192xf32, #tpu.memory_space<any>>
    %dma_start3A_384 = tpu.memref_squeeze %dma_start3A_383 : memref<1x16x16x192xf32, #tpu.memory_space<any>> -> memref<16x16x192xf32, #tpu.memory_space<any>>
    %dma_start3A_385 = arith.constant 0 : i32
    %dma_start3A_386 = arith.constant 464 : i32
    %dma_start3A_387 = arith.constant 0 : i32
    %dma_start3A_388 = tpu.memref_slice %arg1[%dma_start3A_385, %dma_start3A_386, %dma_start3A_387] : memref<16x512x192xf32, #tpu.memory_space<vmem>> -> memref<16x16x192xf32, #tpu.memory_space<vmem>>
    tpu.enqueue_dma source(%dma_start3A_388 : memref<16x16x192xf32, #tpu.memory_space<vmem>>) target(%dma_start3A_384 : memref<16x16x192xf32, #tpu.memory_space<any>>) target_semaphore(%arg4 : memref<!tpu.dma_semaphore, #tpu.memory_space<semaphore_mem>>)
    %mul3A_389 = arith.constant 32 : i32
    %mul3A_390 = arith.muli %add3A_0, %mul3A_389 : i32
    %add3A_391 = arith.constant 30 : i32
    %add3A_392 = arith.addi %mul3A_390, %add3A_391 : i32
    %dma_start3A_393 = arith.constant 0 : i32
    %dma_start3A_394 = arith.constant 0 : i32
    %dma_start3A_395 = arith.constant 0 : i32
    %dma_start3A_396 = tpu.memref_slice %arg3[%add3A_392, %dma_start3A_393, %dma_start3A_394, %dma_start3A_395] : memref<1024x16x16x192xf32, #tpu.memory_space<any>> -> memref<1x16x16x192xf32, #tpu.memory_space<any>>
    %dma_start3A_397 = tpu.memref_squeeze %dma_start3A_396 : memref<1x16x16x192xf32, #tpu.memory_space<any>> -> memref<16x16x192xf32, #tpu.memory_space<any>>
    %dma_start3A_398 = arith.constant 0 : i32
    %dma_start3A_399 = arith.constant 480 : i32
    %dma_start3A_400 = arith.constant 0 : i32
    %dma_start3A_401 = tpu.memref_slice %arg1[%dma_start3A_398, %dma_start3A_399, %dma_start3A_400] : memref<16x512x192xf32, #tpu.memory_space<vmem>> -> memref<16x16x192xf32, #tpu.memory_space<vmem>>
    tpu.enqueue_dma source(%dma_start3A_401 : memref<16x16x192xf32, #tpu.memory_space<vmem>>) target(%dma_start3A_397 : memref<16x16x192xf32, #tpu.memory_space<any>>) target_semaphore(%arg4 : memref<!tpu.dma_semaphore, #tpu.memory_space<semaphore_mem>>)
    %mul3A_402 = arith.constant 32 : i32
    %mul3A_403 = arith.muli %add3A_0, %mul3A_402 : i32
    %add3A_404 = arith.constant 31 : i32
    %add3A_405 = arith.addi %mul3A_403, %add3A_404 : i32
    %dma_start3A_406 = arith.constant 0 : i32
    %dma_start3A_407 = arith.constant 0 : i32
    %dma_start3A_408 = arith.constant 0 : i32
    %dma_start3A_409 = tpu.memref_slice %arg3[%add3A_405, %dma_start3A_406, %dma_start3A_407, %dma_start3A_408] : memref<1024x16x16x192xf32, #tpu.memory_space<any>> -> memref<1x16x16x192xf32, #tpu.memory_space<any>>
    %dma_start3A_410 = tpu.memref_squeeze %dma_start3A_409 : memref<1x16x16x192xf32, #tpu.memory_space<any>> -> memref<16x16x192xf32, #tpu.memory_space<any>>
    %dma_start3A_411 = arith.constant 0 : i32
    %dma_start3A_412 = arith.constant 496 : i32
    %dma_start3A_413 = arith.constant 0 : i32
    %dma_start3A_414 = tpu.memref_slice %arg1[%dma_start3A_411, %dma_start3A_412, %dma_start3A_413] : memref<16x512x192xf32, #tpu.memory_space<vmem>> -> memref<16x16x192xf32, #tpu.memory_space<vmem>>
    tpu.enqueue_dma source(%dma_start3A_414 : memref<16x16x192xf32, #tpu.memory_space<vmem>>) target(%dma_start3A_410 : memref<16x16x192xf32, #tpu.memory_space<any>>) target_semaphore(%arg4 : memref<!tpu.dma_semaphore, #tpu.memory_space<semaphore_mem>>)
    %dma_wait3A = arith.constant 0 : i32
    %dma_wait3A_415 = arith.constant 0 : i32
    %dma_wait3A_416 = arith.constant 0 : i32
    %dma_wait3A_417 = arith.constant 0 : i32
    %dma_wait3A_418 = tpu.memref_slice %arg3[%dma_wait3A, %dma_wait3A_415, %dma_wait3A_416, %dma_wait3A_417] : memref<1024x16x16x192xf32, #tpu.memory_space<any>> -> memref<1x16x16x192xf32, #tpu.memory_space<any>>
    %dma_wait3A_419 = tpu.memref_squeeze %dma_wait3A_418 : memref<1x16x16x192xf32, #tpu.memory_space<any>> -> memref<16x16x192xf32, #tpu.memory_space<any>>
    %dma_wait3A_420 = arith.constant 0 : i32
    %dma_wait3A_421 = arith.constant 0 : i32
    %dma_wait3A_422 = arith.constant 0 : i32
    %dma_wait3A_423 = tpu.memref_slice %arg1[%dma_wait3A_420, %dma_wait3A_421, %dma_wait3A_422] : memref<16x512x192xf32, #tpu.memory_space<vmem>> -> memref<16x16x192xf32, #tpu.memory_space<vmem>>
    tpu.wait_dma2 semaphore(%arg4 : memref<!tpu.dma_semaphore, #tpu.memory_space<semaphore_mem>>) src(%dma_wait3A_423 : memref<16x16x192xf32, #tpu.memory_space<vmem>>) dst(%dma_wait3A_419 : memref<16x16x192xf32, #tpu.memory_space<any>>)
    %dma_wait3A_424 = arith.constant 0 : i32
    %dma_wait3A_425 = arith.constant 0 : i32
    %dma_wait3A_426 = arith.constant 0 : i32
    %dma_wait3A_427 = arith.constant 0 : i32
    %dma_wait3A_428 = tpu.memref_slice %arg3[%dma_wait3A_424, %dma_wait3A_425, %dma_wait3A_426, %dma_wait3A_427] : memref<1024x16x16x192xf32, #tpu.memory_space<any>> -> memref<1x16x16x192xf32, #tpu.memory_space<any>>
    %dma_wait3A_429 = tpu.memref_squeeze %dma_wait3A_428 : memref<1x16x16x192xf32, #tpu.memory_space<any>> -> memref<16x16x192xf32, #tpu.memory_space<any>>
    %dma_wait3A_430 = arith.constant 0 : i32
    %dma_wait3A_431 = arith.constant 0 : i32
    %dma_wait3A_432 = arith.constant 0 : i32
    %dma_wait3A_433 = tpu.memref_slice %arg1[%dma_wait3A_430, %dma_wait3A_431, %dma_wait3A_432] : memref<16x512x192xf32, #tpu.memory_space<vmem>> -> memref<16x16x192xf32, #tpu.memory_space<vmem>>
    tpu.wait_dma2 semaphore(%arg4 : memref<!tpu.dma_semaphore, #tpu.memory_space<semaphore_mem>>) src(%dma_wait3A_433 : memref<16x16x192xf32, #tpu.memory_space<vmem>>) dst(%dma_wait3A_429 : memref<16x16x192xf32, #tpu.memory_space<any>>)
    %dma_wait3A_434 = arith.constant 0 : i32
    %dma_wait3A_435 = arith.constant 0 : i32
    %dma_wait3A_436 = arith.constant 0 : i32
    %dma_wait3A_437 = arith.constant 0 : i32
    %dma_wait3A_438 = tpu.memref_slice %arg3[%dma_wait3A_434, %dma_wait3A_435, %dma_wait3A_436, %dma_wait3A_437] : memref<1024x16x16x192xf32, #tpu.memory_space<any>> -> memref<1x16x16x192xf32, #tpu.memory_space<any>>
    %dma_wait3A_439 = tpu.memref_squeeze %dma_wait3A_438 : memref<1x16x16x192xf32, #tpu.memory_space<any>> -> memref<16x16x192xf32, #tpu.memory_space<any>>
    %dma_wait3A_440 = arith.constant 0 : i32
    %dma_wait3A_441 = arith.constant 0 : i32
    %dma_wait3A_442 = arith.constant 0 : i32
    %dma_wait3A_443 = tpu.memref_slice %arg1[%dma_wait3A_440, %dma_wait3A_441, %dma_wait3A_442] : memref<16x512x192xf32, #tpu.memory_space<vmem>> -> memref<16x16x192xf32, #tpu.memory_space<vmem>>
    tpu.wait_dma2 semaphore(%arg4 : memref<!tpu.dma_semaphore, #tpu.memory_space<semaphore_mem>>) src(%dma_wait3A_443 : memref<16x16x192xf32, #tpu.memory_space<vmem>>) dst(%dma_wait3A_439 : memref<16x16x192xf32, #tpu.memory_space<any>>)
    %dma_wait3A_444 = arith.constant 0 : i32
    %dma_wait3A_445 = arith.constant 0 : i32
    %dma_wait3A_446 = arith.constant 0 : i32
    %dma_wait3A_447 = arith.constant 0 : i32
    %dma_wait3A_448 = tpu.memref_slice %arg3[%dma_wait3A_444, %dma_wait3A_445, %dma_wait3A_446, %dma_wait3A_447] : memref<1024x16x16x192xf32, #tpu.memory_space<any>> -> memref<1x16x16x192xf32, #tpu.memory_space<any>>
    %dma_wait3A_449 = tpu.memref_squeeze %dma_wait3A_448 : memref<1x16x16x192xf32, #tpu.memory_space<any>> -> memref<16x16x192xf32, #tpu.memory_space<any>>
    %dma_wait3A_450 = arith.constant 0 : i32
    %dma_wait3A_451 = arith.constant 0 : i32
    %dma_wait3A_452 = arith.constant 0 : i32
    %dma_wait3A_453 = tpu.memref_slice %arg1[%dma_wait3A_450, %dma_wait3A_451, %dma_wait3A_452] : memref<16x512x192xf32, #tpu.memory_space<vmem>> -> memref<16x16x192xf32, #tpu.memory_space<vmem>>
    tpu.wait_dma2 semaphore(%arg4 : memref<!tpu.dma_semaphore, #tpu.memory_space<semaphore_mem>>) src(%dma_wait3A_453 : memref<16x16x192xf32, #tpu.memory_space<vmem>>) dst(%dma_wait3A_449 : memref<16x16x192xf32, #tpu.memory_space<any>>)
    %dma_wait3A_454 = arith.constant 0 : i32
    %dma_wait3A_455 = arith.constant 0 : i32
    %dma_wait3A_456 = arith.constant 0 : i32
    %dma_wait3A_457 = arith.constant 0 : i32
    %dma_wait3A_458 = tpu.memref_slice %arg3[%dma_wait3A_454, %dma_wait3A_455, %dma_wait3A_456, %dma_wait3A_457] : memref<1024x16x16x192xf32, #tpu.memory_space<any>> -> memref<1x16x16x192xf32, #tpu.memory_space<any>>
    %dma_wait3A_459 = tpu.memref_squeeze %dma_wait3A_458 : memref<1x16x16x192xf32, #tpu.memory_space<any>> -> memref<16x16x192xf32, #tpu.memory_space<any>>
    %dma_wait3A_460 = arith.constant 0 : i32
    %dma_wait3A_461 = arith.constant 0 : i32
    %dma_wait3A_462 = arith.constant 0 : i32
    %dma_wait3A_463 = tpu.memref_slice %arg1[%dma_wait3A_460, %dma_wait3A_461, %dma_wait3A_462] : memref<16x512x192xf32, #tpu.memory_space<vmem>> -> memref<16x16x192xf32, #tpu.memory_space<vmem>>
    tpu.wait_dma2 semaphore(%arg4 : memref<!tpu.dma_semaphore, #tpu.memory_space<semaphore_mem>>) src(%dma_wait3A_463 : memref<16x16x192xf32, #tpu.memory_space<vmem>>) dst(%dma_wait3A_459 : memref<16x16x192xf32, #tpu.memory_space<any>>)
    %dma_wait3A_464 = arith.constant 0 : i32
    %dma_wait3A_465 = arith.constant 0 : i32
    %dma_wait3A_466 = arith.constant 0 : i32
    %dma_wait3A_467 = arith.constant 0 : i32
    %dma_wait3A_468 = tpu.memref_slice %arg3[%dma_wait3A_464, %dma_wait3A_465, %dma_wait3A_466, %dma_wait3A_467] : memref<1024x16x16x192xf32, #tpu.memory_space<any>> -> memref<1x16x16x192xf32, #tpu.memory_space<any>>
    %dma_wait3A_469 = tpu.memref_squeeze %dma_wait3A_468 : memref<1x16x16x192xf32, #tpu.memory_space<any>> -> memref<16x16x192xf32, #tpu.memory_space<any>>
    %dma_wait3A_470 = arith.constant 0 : i32
    %dma_wait3A_471 = arith.constant 0 : i32
    %dma_wait3A_472 = arith.constant 0 : i32
    %dma_wait3A_473 = tpu.memref_slice %arg1[%dma_wait3A_470, %dma_wait3A_471, %dma_wait3A_472] : memref<16x512x192xf32, #tpu.memory_space<vmem>> -> memref<16x16x192xf32, #tpu.memory_space<vmem>>
    tpu.wait_dma2 semaphore(%arg4 : memref<!tpu.dma_semaphore, #tpu.memory_space<semaphore_mem>>) src(%dma_wait3A_473 : memref<16x16x192xf32, #tpu.memory_space<vmem>>) dst(%dma_wait3A_469 : memref<16x16x192xf32, #tpu.memory_space<any>>)
    %dma_wait3A_474 = arith.constant 0 : i32
    %dma_wait3A_475 = arith.constant 0 : i32
    %dma_wait3A_476 = arith.constant 0 : i32
    %dma_wait3A_477 = arith.constant 0 : i32
    %dma_wait3A_478 = tpu.memref_slice %arg3[%dma_wait3A_474, %dma_wait3A_475, %dma_wait3A_476, %dma_wait3A_477] : memref<1024x16x16x192xf32, #tpu.memory_space<any>> -> memref<1x16x16x192xf32, #tpu.memory_space<any>>
    %dma_wait3A_479 = tpu.memref_squeeze %dma_wait3A_478 : memref<1x16x16x192xf32, #tpu.memory_space<any>> -> memref<16x16x192xf32, #tpu.memory_space<any>>
    %dma_wait3A_480 = arith.constant 0 : i32
    %dma_wait3A_481 = arith.constant 0 : i32
    %dma_wait3A_482 = arith.constant 0 : i32
    %dma_wait3A_483 = tpu.memref_slice %arg1[%dma_wait3A_480, %dma_wait3A_481, %dma_wait3A_482] : memref<16x512x192xf32, #tpu.memory_space<vmem>> -> memref<16x16x192xf32, #tpu.memory_space<vmem>>
    tpu.wait_dma2 semaphore(%arg4 : memref<!tpu.dma_semaphore, #tpu.memory_space<semaphore_mem>>) src(%dma_wait3A_483 : memref<16x16x192xf32, #tpu.memory_space<vmem>>) dst(%dma_wait3A_479 : memref<16x16x192xf32, #tpu.memory_space<any>>)
    %dma_wait3A_484 = arith.constant 0 : i32
    %dma_wait3A_485 = arith.constant 0 : i32
    %dma_wait3A_486 = arith.constant 0 : i32
    %dma_wait3A_487 = arith.constant 0 : i32
    %dma_wait3A_488 = tpu.memref_slice %arg3[%dma_wait3A_484, %dma_wait3A_485, %dma_wait3A_486, %dma_wait3A_487] : memref<1024x16x16x192xf32, #tpu.memory_space<any>> -> memref<1x16x16x192xf32, #tpu.memory_space<any>>
    %dma_wait3A_489 = tpu.memref_squeeze %dma_wait3A_488 : memref<1x16x16x192xf32, #tpu.memory_space<any>> -> memref<16x16x192xf32, #tpu.memory_space<any>>
    %dma_wait3A_490 = arith.constant 0 : i32
    %dma_wait3A_491 = arith.constant 0 : i32
    %dma_wait3A_492 = arith.constant 0 : i32
    %dma_wait3A_493 = tpu.memref_slice %arg1[%dma_wait3A_490, %dma_wait3A_491, %dma_wait3A_492] : memref<16x512x192xf32, #tpu.memory_space<vmem>> -> memref<16x16x192xf32, #tpu.memory_space<vmem>>
    tpu.wait_dma2 semaphore(%arg4 : memref<!tpu.dma_semaphore, #tpu.memory_space<semaphore_mem>>) src(%dma_wait3A_493 : memref<16x16x192xf32, #tpu.memory_space<vmem>>) dst(%dma_wait3A_489 : memref<16x16x192xf32, #tpu.memory_space<any>>)
    %dma_wait3A_494 = arith.constant 0 : i32
    %dma_wait3A_495 = arith.constant 0 : i32
    %dma_wait3A_496 = arith.constant 0 : i32
    %dma_wait3A_497 = arith.constant 0 : i32
    %dma_wait3A_498 = tpu.memref_slice %arg3[%dma_wait3A_494, %dma_wait3A_495, %dma_wait3A_496, %dma_wait3A_497] : memref<1024x16x16x192xf32, #tpu.memory_space<any>> -> memref<1x16x16x192xf32, #tpu.memory_space<any>>
    %dma_wait3A_499 = tpu.memref_squeeze %dma_wait3A_498 : memref<1x16x16x192xf32, #tpu.memory_space<any>> -> memref<16x16x192xf32, #tpu.memory_space<any>>
    %dma_wait3A_500 = arith.constant 0 : i32
    %dma_wait3A_501 = arith.constant 0 : i32
    %dma_wait3A_502 = arith.constant 0 : i32
    %dma_wait3A_503 = tpu.memref_slice %arg1[%dma_wait3A_500, %dma_wait3A_501, %dma_wait3A_502] : memref<16x512x192xf32, #tpu.memory_space<vmem>> -> memref<16x16x192xf32, #tpu.memory_space<vmem>>
    tpu.wait_dma2 semaphore(%arg4 : memref<!tpu.dma_semaphore, #tpu.memory_space<semaphore_mem>>) src(%dma_wait3A_503 : memref<16x16x192xf32, #tpu.memory_space<vmem>>) dst(%dma_wait3A_499 : memref<16x16x192xf32, #tpu.memory_space<any>>)
    %dma_wait3A_504 = arith.constant 0 : i32
    %dma_wait3A_505 = arith.constant 0 : i32
    %dma_wait3A_506 = arith.constant 0 : i32
    %dma_wait3A_507 = arith.constant 0 : i32
    %dma_wait3A_508 = tpu.memref_slice %arg3[%dma_wait3A_504, %dma_wait3A_505, %dma_wait3A_506, %dma_wait3A_507] : memref<1024x16x16x192xf32, #tpu.memory_space<any>> -> memref<1x16x16x192xf32, #tpu.memory_space<any>>
    %dma_wait3A_509 = tpu.memref_squeeze %dma_wait3A_508 : memref<1x16x16x192xf32, #tpu.memory_space<any>> -> memref<16x16x192xf32, #tpu.memory_space<any>>
    %dma_wait3A_510 = arith.constant 0 : i32
    %dma_wait3A_511 = arith.constant 0 : i32
    %dma_wait3A_512 = arith.constant 0 : i32
    %dma_wait3A_513 = tpu.memref_slice %arg1[%dma_wait3A_510, %dma_wait3A_511, %dma_wait3A_512] : memref<16x512x192xf32, #tpu.memory_space<vmem>> -> memref<16x16x192xf32, #tpu.memory_space<vmem>>
    tpu.wait_dma2 semaphore(%arg4 : memref<!tpu.dma_semaphore, #tpu.memory_space<semaphore_mem>>) src(%dma_wait3A_513 : memref<16x16x192xf32, #tpu.memory_space<vmem>>) dst(%dma_wait3A_509 : memref<16x16x192xf32, #tpu.memory_space<any>>)
    %dma_wait3A_514 = arith.constant 0 : i32
    %dma_wait3A_515 = arith.constant 0 : i32
    %dma_wait3A_516 = arith.constant 0 : i32
    %dma_wait3A_517 = arith.constant 0 : i32
    %dma_wait3A_518 = tpu.memref_slice %arg3[%dma_wait3A_514, %dma_wait3A_515, %dma_wait3A_516, %dma_wait3A_517] : memref<1024x16x16x192xf32, #tpu.memory_space<any>> -> memref<1x16x16x192xf32, #tpu.memory_space<any>>
    %dma_wait3A_519 = tpu.memref_squeeze %dma_wait3A_518 : memref<1x16x16x192xf32, #tpu.memory_space<any>> -> memref<16x16x192xf32, #tpu.memory_space<any>>
    %dma_wait3A_520 = arith.constant 0 : i32
    %dma_wait3A_521 = arith.constant 0 : i32
    %dma_wait3A_522 = arith.constant 0 : i32
    %dma_wait3A_523 = tpu.memref_slice %arg1[%dma_wait3A_520, %dma_wait3A_521, %dma_wait3A_522] : memref<16x512x192xf32, #tpu.memory_space<vmem>> -> memref<16x16x192xf32, #tpu.memory_space<vmem>>
    tpu.wait_dma2 semaphore(%arg4 : memref<!tpu.dma_semaphore, #tpu.memory_space<semaphore_mem>>) src(%dma_wait3A_523 : memref<16x16x192xf32, #tpu.memory_space<vmem>>) dst(%dma_wait3A_519 : memref<16x16x192xf32, #tpu.memory_space<any>>)
    %dma_wait3A_524 = arith.constant 0 : i32
    %dma_wait3A_525 = arith.constant 0 : i32
    %dma_wait3A_526 = arith.constant 0 : i32
    %dma_wait3A_527 = arith.constant 0 : i32
    %dma_wait3A_528 = tpu.memref_slice %arg3[%dma_wait3A_524, %dma_wait3A_525, %dma_wait3A_526, %dma_wait3A_527] : memref<1024x16x16x192xf32, #tpu.memory_space<any>> -> memref<1x16x16x192xf32, #tpu.memory_space<any>>
    %dma_wait3A_529 = tpu.memref_squeeze %dma_wait3A_528 : memref<1x16x16x192xf32, #tpu.memory_space<any>> -> memref<16x16x192xf32, #tpu.memory_space<any>>
    %dma_wait3A_530 = arith.constant 0 : i32
    %dma_wait3A_531 = arith.constant 0 : i32
    %dma_wait3A_532 = arith.constant 0 : i32
    %dma_wait3A_533 = tpu.memref_slice %arg1[%dma_wait3A_530, %dma_wait3A_531, %dma_wait3A_532] : memref<16x512x192xf32, #tpu.memory_space<vmem>> -> memref<16x16x192xf32, #tpu.memory_space<vmem>>
    tpu.wait_dma2 semaphore(%arg4 : memref<!tpu.dma_semaphore, #tpu.memory_space<semaphore_mem>>) src(%dma_wait3A_533 : memref<16x16x192xf32, #tpu.memory_space<vmem>>) dst(%dma_wait3A_529 : memref<16x16x192xf32, #tpu.memory_space<any>>)
    %dma_wait3A_534 = arith.constant 0 : i32
    %dma_wait3A_535 = arith.constant 0 : i32
    %dma_wait3A_536 = arith.constant 0 : i32
    %dma_wait3A_537 = arith.constant 0 : i32
    %dma_wait3A_538 = tpu.memref_slice %arg3[%dma_wait3A_534, %dma_wait3A_535, %dma_wait3A_536, %dma_wait3A_537] : memref<1024x16x16x192xf32, #tpu.memory_space<any>> -> memref<1x16x16x192xf32, #tpu.memory_space<any>>
    %dma_wait3A_539 = tpu.memref_squeeze %dma_wait3A_538 : memref<1x16x16x192xf32, #tpu.memory_space<any>> -> memref<16x16x192xf32, #tpu.memory_space<any>>
    %dma_wait3A_540 = arith.constant 0 : i32
    %dma_wait3A_541 = arith.constant 0 : i32
    %dma_wait3A_542 = arith.constant 0 : i32
    %dma_wait3A_543 = tpu.memref_slice %arg1[%dma_wait3A_540, %dma_wait3A_541, %dma_wait3A_542] : memref<16x512x192xf32, #tpu.memory_space<vmem>> -> memref<16x16x192xf32, #tpu.memory_space<vmem>>
    tpu.wait_dma2 semaphore(%arg4 : memref<!tpu.dma_semaphore, #tpu.memory_space<semaphore_mem>>) src(%dma_wait3A_543 : memref<16x16x192xf32, #tpu.memory_space<vmem>>) dst(%dma_wait3A_539 : memref<16x16x192xf32, #tpu.memory_space<any>>)
    %dma_wait3A_544 = arith.constant 0 : i32
    %dma_wait3A_545 = arith.constant 0 : i32
    %dma_wait3A_546 = arith.constant 0 : i32
    %dma_wait3A_547 = arith.constant 0 : i32
    %dma_wait3A_548 = tpu.memref_slice %arg3[%dma_wait3A_544, %dma_wait3A_545, %dma_wait3A_546, %dma_wait3A_547] : memref<1024x16x16x192xf32, #tpu.memory_space<any>> -> memref<1x16x16x192xf32, #tpu.memory_space<any>>
    %dma_wait3A_549 = tpu.memref_squeeze %dma_wait3A_548 : memref<1x16x16x192xf32, #tpu.memory_space<any>> -> memref<16x16x192xf32, #tpu.memory_space<any>>
    %dma_wait3A_550 = arith.constant 0 : i32
    %dma_wait3A_551 = arith.constant 0 : i32
    %dma_wait3A_552 = arith.constant 0 : i32
    %dma_wait3A_553 = tpu.memref_slice %arg1[%dma_wait3A_550, %dma_wait3A_551, %dma_wait3A_552] : memref<16x512x192xf32, #tpu.memory_space<vmem>> -> memref<16x16x192xf32, #tpu.memory_space<vmem>>
    tpu.wait_dma2 semaphore(%arg4 : memref<!tpu.dma_semaphore, #tpu.memory_space<semaphore_mem>>) src(%dma_wait3A_553 : memref<16x16x192xf32, #tpu.memory_space<vmem>>) dst(%dma_wait3A_549 : memref<16x16x192xf32, #tpu.memory_space<any>>)
    %dma_wait3A_554 = arith.constant 0 : i32
    %dma_wait3A_555 = arith.constant 0 : i32
    %dma_wait3A_556 = arith.constant 0 : i32
    %dma_wait3A_557 = arith.constant 0 : i32
    %dma_wait3A_558 = tpu.memref_slice %arg3[%dma_wait3A_554, %dma_wait3A_555, %dma_wait3A_556, %dma_wait3A_557] : memref<1024x16x16x192xf32, #tpu.memory_space<any>> -> memref<1x16x16x192xf32, #tpu.memory_space<any>>
    %dma_wait3A_559 = tpu.memref_squeeze %dma_wait3A_558 : memref<1x16x16x192xf32, #tpu.memory_space<any>> -> memref<16x16x192xf32, #tpu.memory_space<any>>
    %dma_wait3A_560 = arith.constant 0 : i32
    %dma_wait3A_561 = arith.constant 0 : i32
    %dma_wait3A_562 = arith.constant 0 : i32
    %dma_wait3A_563 = tpu.memref_slice %arg1[%dma_wait3A_560, %dma_wait3A_561, %dma_wait3A_562] : memref<16x512x192xf32, #tpu.memory_space<vmem>> -> memref<16x16x192xf32, #tpu.memory_space<vmem>>
    tpu.wait_dma2 semaphore(%arg4 : memref<!tpu.dma_semaphore, #tpu.memory_space<semaphore_mem>>) src(%dma_wait3A_563 : memref<16x16x192xf32, #tpu.memory_space<vmem>>) dst(%dma_wait3A_559 : memref<16x16x192xf32, #tpu.memory_space<any>>)
    %dma_wait3A_564 = arith.constant 0 : i32
    %dma_wait3A_565 = arith.constant 0 : i32
    %dma_wait3A_566 = arith.constant 0 : i32
    %dma_wait3A_567 = arith.constant 0 : i32
    %dma_wait3A_568 = tpu.memref_slice %arg3[%dma_wait3A_564, %dma_wait3A_565, %dma_wait3A_566, %dma_wait3A_567] : memref<1024x16x16x192xf32, #tpu.memory_space<any>> -> memref<1x16x16x192xf32, #tpu.memory_space<any>>
    %dma_wait3A_569 = tpu.memref_squeeze %dma_wait3A_568 : memref<1x16x16x192xf32, #tpu.memory_space<any>> -> memref<16x16x192xf32, #tpu.memory_space<any>>
    %dma_wait3A_570 = arith.constant 0 : i32
    %dma_wait3A_571 = arith.constant 0 : i32
    %dma_wait3A_572 = arith.constant 0 : i32
    %dma_wait3A_573 = tpu.memref_slice %arg1[%dma_wait3A_570, %dma_wait3A_571, %dma_wait3A_572] : memref<16x512x192xf32, #tpu.memory_space<vmem>> -> memref<16x16x192xf32, #tpu.memory_space<vmem>>
    tpu.wait_dma2 semaphore(%arg4 : memref<!tpu.dma_semaphore, #tpu.memory_space<semaphore_mem>>) src(%dma_wait3A_573 : memref<16x16x192xf32, #tpu.memory_space<vmem>>) dst(%dma_wait3A_569 : memref<16x16x192xf32, #tpu.memory_space<any>>)
    %dma_wait3A_574 = arith.constant 0 : i32
    %dma_wait3A_575 = arith.constant 0 : i32
    %dma_wait3A_576 = arith.constant 0 : i32
    %dma_wait3A_577 = arith.constant 0 : i32
    %dma_wait3A_578 = tpu.memref_slice %arg3[%dma_wait3A_574, %dma_wait3A_575, %dma_wait3A_576, %dma_wait3A_577] : memref<1024x16x16x192xf32, #tpu.memory_space<any>> -> memref<1x16x16x192xf32, #tpu.memory_space<any>>
    %dma_wait3A_579 = tpu.memref_squeeze %dma_wait3A_578 : memref<1x16x16x192xf32, #tpu.memory_space<any>> -> memref<16x16x192xf32, #tpu.memory_space<any>>
    %dma_wait3A_580 = arith.constant 0 : i32
    %dma_wait3A_581 = arith.constant 0 : i32
    %dma_wait3A_582 = arith.constant 0 : i32
    %dma_wait3A_583 = tpu.memref_slice %arg1[%dma_wait3A_580, %dma_wait3A_581, %dma_wait3A_582] : memref<16x512x192xf32, #tpu.memory_space<vmem>> -> memref<16x16x192xf32, #tpu.memory_space<vmem>>
    tpu.wait_dma2 semaphore(%arg4 : memref<!tpu.dma_semaphore, #tpu.memory_space<semaphore_mem>>) src(%dma_wait3A_583 : memref<16x16x192xf32, #tpu.memory_space<vmem>>) dst(%dma_wait3A_579 : memref<16x16x192xf32, #tpu.memory_space<any>>)
    %dma_wait3A_584 = arith.constant 0 : i32
    %dma_wait3A_585 = arith.constant 0 : i32
    %dma_wait3A_586 = arith.constant 0 : i32
    %dma_wait3A_587 = arith.constant 0 : i32
    %dma_wait3A_588 = tpu.memref_slice %arg3[%dma_wait3A_584, %dma_wait3A_585, %dma_wait3A_586, %dma_wait3A_587] : memref<1024x16x16x192xf32, #tpu.memory_space<any>> -> memref<1x16x16x192xf32, #tpu.memory_space<any>>
    %dma_wait3A_589 = tpu.memref_squeeze %dma_wait3A_588 : memref<1x16x16x192xf32, #tpu.memory_space<any>> -> memref<16x16x192xf32, #tpu.memory_space<any>>
    %dma_wait3A_590 = arith.constant 0 : i32
    %dma_wait3A_591 = arith.constant 0 : i32
    %dma_wait3A_592 = arith.constant 0 : i32
    %dma_wait3A_593 = tpu.memref_slice %arg1[%dma_wait3A_590, %dma_wait3A_591, %dma_wait3A_592] : memref<16x512x192xf32, #tpu.memory_space<vmem>> -> memref<16x16x192xf32, #tpu.memory_space<vmem>>
    tpu.wait_dma2 semaphore(%arg4 : memref<!tpu.dma_semaphore, #tpu.memory_space<semaphore_mem>>) src(%dma_wait3A_593 : memref<16x16x192xf32, #tpu.memory_space<vmem>>) dst(%dma_wait3A_589 : memref<16x16x192xf32, #tpu.memory_space<any>>)
    %dma_wait3A_594 = arith.constant 0 : i32
    %dma_wait3A_595 = arith.constant 0 : i32
    %dma_wait3A_596 = arith.constant 0 : i32
    %dma_wait3A_597 = arith.constant 0 : i32
    %dma_wait3A_598 = tpu.memref_slice %arg3[%dma_wait3A_594, %dma_wait3A_595, %dma_wait3A_596, %dma_wait3A_597] : memref<1024x16x16x192xf32, #tpu.memory_space<any>> -> memref<1x16x16x192xf32, #tpu.memory_space<any>>
    %dma_wait3A_599 = tpu.memref_squeeze %dma_wait3A_598 : memref<1x16x16x192xf32, #tpu.memory_space<any>> -> memref<16x16x192xf32, #tpu.memory_space<any>>
    %dma_wait3A_600 = arith.constant 0 : i32
    %dma_wait3A_601 = arith.constant 0 : i32
    %dma_wait3A_602 = arith.constant 0 : i32
    %dma_wait3A_603 = tpu.memref_slice %arg1[%dma_wait3A_600, %dma_wait3A_601, %dma_wait3A_602] : memref<16x512x192xf32, #tpu.memory_space<vmem>> -> memref<16x16x192xf32, #tpu.memory_space<vmem>>
    tpu.wait_dma2 semaphore(%arg4 : memref<!tpu.dma_semaphore, #tpu.memory_space<semaphore_mem>>) src(%dma_wait3A_603 : memref<16x16x192xf32, #tpu.memory_space<vmem>>) dst(%dma_wait3A_599 : memref<16x16x192xf32, #tpu.memory_space<any>>)
    %dma_wait3A_604 = arith.constant 0 : i32
    %dma_wait3A_605 = arith.constant 0 : i32
    %dma_wait3A_606 = arith.constant 0 : i32
    %dma_wait3A_607 = arith.constant 0 : i32
    %dma_wait3A_608 = tpu.memref_slice %arg3[%dma_wait3A_604, %dma_wait3A_605, %dma_wait3A_606, %dma_wait3A_607] : memref<1024x16x16x192xf32, #tpu.memory_space<any>> -> memref<1x16x16x192xf32, #tpu.memory_space<any>>
    %dma_wait3A_609 = tpu.memref_squeeze %dma_wait3A_608 : memref<1x16x16x192xf32, #tpu.memory_space<any>> -> memref<16x16x192xf32, #tpu.memory_space<any>>
    %dma_wait3A_610 = arith.constant 0 : i32
    %dma_wait3A_611 = arith.constant 0 : i32
    %dma_wait3A_612 = arith.constant 0 : i32
    %dma_wait3A_613 = tpu.memref_slice %arg1[%dma_wait3A_610, %dma_wait3A_611, %dma_wait3A_612] : memref<16x512x192xf32, #tpu.memory_space<vmem>> -> memref<16x16x192xf32, #tpu.memory_space<vmem>>
    tpu.wait_dma2 semaphore(%arg4 : memref<!tpu.dma_semaphore, #tpu.memory_space<semaphore_mem>>) src(%dma_wait3A_613 : memref<16x16x192xf32, #tpu.memory_space<vmem>>) dst(%dma_wait3A_609 : memref<16x16x192xf32, #tpu.memory_space<any>>)
    %dma_wait3A_614 = arith.constant 0 : i32
    %dma_wait3A_615 = arith.constant 0 : i32
    %dma_wait3A_616 = arith.constant 0 : i32
    %dma_wait3A_617 = arith.constant 0 : i32
    %dma_wait3A_618 = tpu.memref_slice %arg3[%dma_wait3A_614, %dma_wait3A_615, %dma_wait3A_616, %dma_wait3A_617] : memref<1024x16x16x192xf32, #tpu.memory_space<any>> -> memref<1x16x16x192xf32, #tpu.memory_space<any>>
    %dma_wait3A_619 = tpu.memref_squeeze %dma_wait3A_618 : memref<1x16x16x192xf32, #tpu.memory_space<any>> -> memref<16x16x192xf32, #tpu.memory_space<any>>
    %dma_wait3A_620 = arith.constant 0 : i32
    %dma_wait3A_621 = arith.constant 0 : i32
    %dma_wait3A_622 = arith.constant 0 : i32
    %dma_wait3A_623 = tpu.memref_slice %arg1[%dma_wait3A_620, %dma_wait3A_621, %dma_wait3A_622] : memref<16x512x192xf32, #tpu.memory_space<vmem>> -> memref<16x16x192xf32, #tpu.memory_space<vmem>>
    tpu.wait_dma2 semaphore(%arg4 : memref<!tpu.dma_semaphore, #tpu.memory_space<semaphore_mem>>) src(%dma_wait3A_623 : memref<16x16x192xf32, #tpu.memory_space<vmem>>) dst(%dma_wait3A_619 : memref<16x16x192xf32, #tpu.memory_space<any>>)
    %dma_wait3A_624 = arith.constant 0 : i32
    %dma_wait3A_625 = arith.constant 0 : i32
    %dma_wait3A_626 = arith.constant 0 : i32
    %dma_wait3A_627 = arith.constant 0 : i32
    %dma_wait3A_628 = tpu.memref_slice %arg3[%dma_wait3A_624, %dma_wait3A_625, %dma_wait3A_626, %dma_wait3A_627] : memref<1024x16x16x192xf32, #tpu.memory_space<any>> -> memref<1x16x16x192xf32, #tpu.memory_space<any>>
    %dma_wait3A_629 = tpu.memref_squeeze %dma_wait3A_628 : memref<1x16x16x192xf32, #tpu.memory_space<any>> -> memref<16x16x192xf32, #tpu.memory_space<any>>
    %dma_wait3A_630 = arith.constant 0 : i32
    %dma_wait3A_631 = arith.constant 0 : i32
    %dma_wait3A_632 = arith.constant 0 : i32
    %dma_wait3A_633 = tpu.memref_slice %arg1[%dma_wait3A_630, %dma_wait3A_631, %dma_wait3A_632] : memref<16x512x192xf32, #tpu.memory_space<vmem>> -> memref<16x16x192xf32, #tpu.memory_space<vmem>>
    tpu.wait_dma2 semaphore(%arg4 : memref<!tpu.dma_semaphore, #tpu.memory_space<semaphore_mem>>) src(%dma_wait3A_633 : memref<16x16x192xf32, #tpu.memory_space<vmem>>) dst(%dma_wait3A_629 : memref<16x16x192xf32, #tpu.memory_space<any>>)
    %dma_wait3A_634 = arith.constant 0 : i32
    %dma_wait3A_635 = arith.constant 0 : i32
    %dma_wait3A_636 = arith.constant 0 : i32
    %dma_wait3A_637 = arith.constant 0 : i32
    %dma_wait3A_638 = tpu.memref_slice %arg3[%dma_wait3A_634, %dma_wait3A_635, %dma_wait3A_636, %dma_wait3A_637] : memref<1024x16x16x192xf32, #tpu.memory_space<any>> -> memref<1x16x16x192xf32, #tpu.memory_space<any>>
    %dma_wait3A_639 = tpu.memref_squeeze %dma_wait3A_638 : memref<1x16x16x192xf32, #tpu.memory_space<any>> -> memref<16x16x192xf32, #tpu.memory_space<any>>
    %dma_wait3A_640 = arith.constant 0 : i32
    %dma_wait3A_641 = arith.constant 0 : i32
    %dma_wait3A_642 = arith.constant 0 : i32
    %dma_wait3A_643 = tpu.memref_slice %arg1[%dma_wait3A_640, %dma_wait3A_641, %dma_wait3A_642] : memref<16x512x192xf32, #tpu.memory_space<vmem>> -> memref<16x16x192xf32, #tpu.memory_space<vmem>>
    tpu.wait_dma2 semaphore(%arg4 : memref<!tpu.dma_semaphore, #tpu.memory_space<semaphore_mem>>) src(%dma_wait3A_643 : memref<16x16x192xf32, #tpu.memory_space<vmem>>) dst(%dma_wait3A_639 : memref<16x16x192xf32, #tpu.memory_space<any>>)
    %dma_wait3A_644 = arith.constant 0 : i32
    %dma_wait3A_645 = arith.constant 0 : i32
    %dma_wait3A_646 = arith.constant 0 : i32
    %dma_wait3A_647 = arith.constant 0 : i32
    %dma_wait3A_648 = tpu.memref_slice %arg3[%dma_wait3A_644, %dma_wait3A_645, %dma_wait3A_646, %dma_wait3A_647] : memref<1024x16x16x192xf32, #tpu.memory_space<any>> -> memref<1x16x16x192xf32, #tpu.memory_space<any>>
    %dma_wait3A_649 = tpu.memref_squeeze %dma_wait3A_648 : memref<1x16x16x192xf32, #tpu.memory_space<any>> -> memref<16x16x192xf32, #tpu.memory_space<any>>
    %dma_wait3A_650 = arith.constant 0 : i32
    %dma_wait3A_651 = arith.constant 0 : i32
    %dma_wait3A_652 = arith.constant 0 : i32
    %dma_wait3A_653 = tpu.memref_slice %arg1[%dma_wait3A_650, %dma_wait3A_651, %dma_wait3A_652] : memref<16x512x192xf32, #tpu.memory_space<vmem>> -> memref<16x16x192xf32, #tpu.memory_space<vmem>>
    tpu.wait_dma2 semaphore(%arg4 : memref<!tpu.dma_semaphore, #tpu.memory_space<semaphore_mem>>) src(%dma_wait3A_653 : memref<16x16x192xf32, #tpu.memory_space<vmem>>) dst(%dma_wait3A_649 : memref<16x16x192xf32, #tpu.memory_space<any>>)
    %dma_wait3A_654 = arith.constant 0 : i32
    %dma_wait3A_655 = arith.constant 0 : i32
    %dma_wait3A_656 = arith.constant 0 : i32
    %dma_wait3A_657 = arith.constant 0 : i32
    %dma_wait3A_658 = tpu.memref_slice %arg3[%dma_wait3A_654, %dma_wait3A_655, %dma_wait3A_656, %dma_wait3A_657] : memref<1024x16x16x192xf32, #tpu.memory_space<any>> -> memref<1x16x16x192xf32, #tpu.memory_space<any>>
    %dma_wait3A_659 = tpu.memref_squeeze %dma_wait3A_658 : memref<1x16x16x192xf32, #tpu.memory_space<any>> -> memref<16x16x192xf32, #tpu.memory_space<any>>
    %dma_wait3A_660 = arith.constant 0 : i32
    %dma_wait3A_661 = arith.constant 0 : i32
    %dma_wait3A_662 = arith.constant 0 : i32
    %dma_wait3A_663 = tpu.memref_slice %arg1[%dma_wait3A_660, %dma_wait3A_661, %dma_wait3A_662] : memref<16x512x192xf32, #tpu.memory_space<vmem>> -> memref<16x16x192xf32, #tpu.memory_space<vmem>>
    tpu.wait_dma2 semaphore(%arg4 : memref<!tpu.dma_semaphore, #tpu.memory_space<semaphore_mem>>) src(%dma_wait3A_663 : memref<16x16x192xf32, #tpu.memory_space<vmem>>) dst(%dma_wait3A_659 : memref<16x16x192xf32, #tpu.memory_space<any>>)
    %dma_wait3A_664 = arith.constant 0 : i32
    %dma_wait3A_665 = arith.constant 0 : i32
    %dma_wait3A_666 = arith.constant 0 : i32
    %dma_wait3A_667 = arith.constant 0 : i32
    %dma_wait3A_668 = tpu.memref_slice %arg3[%dma_wait3A_664, %dma_wait3A_665, %dma_wait3A_666, %dma_wait3A_667] : memref<1024x16x16x192xf32, #tpu.memory_space<any>> -> memref<1x16x16x192xf32, #tpu.memory_space<any>>
    %dma_wait3A_669 = tpu.memref_squeeze %dma_wait3A_668 : memref<1x16x16x192xf32, #tpu.memory_space<any>> -> memref<16x16x192xf32, #tpu.memory_space<any>>
    %dma_wait3A_670 = arith.constant 0 : i32
    %dma_wait3A_671 = arith.constant 0 : i32
    %dma_wait3A_672 = arith.constant 0 : i32
    %dma_wait3A_673 = tpu.memref_slice %arg1[%dma_wait3A_670, %dma_wait3A_671, %dma_wait3A_672] : memref<16x512x192xf32, #tpu.memory_space<vmem>> -> memref<16x16x192xf32, #tpu.memory_space<vmem>>
    tpu.wait_dma2 semaphore(%arg4 : memref<!tpu.dma_semaphore, #tpu.memory_space<semaphore_mem>>) src(%dma_wait3A_673 : memref<16x16x192xf32, #tpu.memory_space<vmem>>) dst(%dma_wait3A_669 : memref<16x16x192xf32, #tpu.memory_space<any>>)
    %dma_wait3A_674 = arith.constant 0 : i32
    %dma_wait3A_675 = arith.constant 0 : i32
    %dma_wait3A_676 = arith.constant 0 : i32
    %dma_wait3A_677 = arith.constant 0 : i32
    %dma_wait3A_678 = tpu.memref_slice %arg3[%dma_wait3A_674, %dma_wait3A_675, %dma_wait3A_676, %dma_wait3A_677] : memref<1024x16x16x192xf32, #tpu.memory_space<any>> -> memref<1x16x16x192xf32, #tpu.memory_space<any>>
    %dma_wait3A_679 = tpu.memref_squeeze %dma_wait3A_678 : memref<1x16x16x192xf32, #tpu.memory_space<any>> -> memref<16x16x192xf32, #tpu.memory_space<any>>
    %dma_wait3A_680 = arith.constant 0 : i32
    %dma_wait3A_681 = arith.constant 0 : i32
    %dma_wait3A_682 = arith.constant 0 : i32
    %dma_wait3A_683 = tpu.memref_slice %arg1[%dma_wait3A_680, %dma_wait3A_681, %dma_wait3A_682] : memref<16x512x192xf32, #tpu.memory_space<vmem>> -> memref<16x16x192xf32, #tpu.memory_space<vmem>>
    tpu.wait_dma2 semaphore(%arg4 : memref<!tpu.dma_semaphore, #tpu.memory_space<semaphore_mem>>) src(%dma_wait3A_683 : memref<16x16x192xf32, #tpu.memory_space<vmem>>) dst(%dma_wait3A_679 : memref<16x16x192xf32, #tpu.memory_space<any>>)
    %dma_wait3A_684 = arith.constant 0 : i32
    %dma_wait3A_685 = arith.constant 0 : i32
    %dma_wait3A_686 = arith.constant 0 : i32
    %dma_wait3A_687 = arith.constant 0 : i32
    %dma_wait3A_688 = tpu.memref_slice %arg3[%dma_wait3A_684, %dma_wait3A_685, %dma_wait3A_686, %dma_wait3A_687] : memref<1024x16x16x192xf32, #tpu.memory_space<any>> -> memref<1x16x16x192xf32, #tpu.memory_space<any>>
    %dma_wait3A_689 = tpu.memref_squeeze %dma_wait3A_688 : memref<1x16x16x192xf32, #tpu.memory_space<any>> -> memref<16x16x192xf32, #tpu.memory_space<any>>
    %dma_wait3A_690 = arith.constant 0 : i32
    %dma_wait3A_691 = arith.constant 0 : i32
    %dma_wait3A_692 = arith.constant 0 : i32
    %dma_wait3A_693 = tpu.memref_slice %arg1[%dma_wait3A_690, %dma_wait3A_691, %dma_wait3A_692] : memref<16x512x192xf32, #tpu.memory_space<vmem>> -> memref<16x16x192xf32, #tpu.memory_space<vmem>>
    tpu.wait_dma2 semaphore(%arg4 : memref<!tpu.dma_semaphore, #tpu.memory_space<semaphore_mem>>) src(%dma_wait3A_693 : memref<16x16x192xf32, #tpu.memory_space<vmem>>) dst(%dma_wait3A_689 : memref<16x16x192xf32, #tpu.memory_space<any>>)
    %dma_wait3A_694 = arith.constant 0 : i32
    %dma_wait3A_695 = arith.constant 0 : i32
    %dma_wait3A_696 = arith.constant 0 : i32
    %dma_wait3A_697 = arith.constant 0 : i32
    %dma_wait3A_698 = tpu.memref_slice %arg3[%dma_wait3A_694, %dma_wait3A_695, %dma_wait3A_696, %dma_wait3A_697] : memref<1024x16x16x192xf32, #tpu.memory_space<any>> -> memref<1x16x16x192xf32, #tpu.memory_space<any>>
    %dma_wait3A_699 = tpu.memref_squeeze %dma_wait3A_698 : memref<1x16x16x192xf32, #tpu.memory_space<any>> -> memref<16x16x192xf32, #tpu.memory_space<any>>
    %dma_wait3A_700 = arith.constant 0 : i32
    %dma_wait3A_701 = arith.constant 0 : i32
    %dma_wait3A_702 = arith.constant 0 : i32
    %dma_wait3A_703 = tpu.memref_slice %arg1[%dma_wait3A_700, %dma_wait3A_701, %dma_wait3A_702] : memref<16x512x192xf32, #tpu.memory_space<vmem>> -> memref<16x16x192xf32, #tpu.memory_space<vmem>>
    tpu.wait_dma2 semaphore(%arg4 : memref<!tpu.dma_semaphore, #tpu.memory_space<semaphore_mem>>) src(%dma_wait3A_703 : memref<16x16x192xf32, #tpu.memory_space<vmem>>) dst(%dma_wait3A_699 : memref<16x16x192xf32, #tpu.memory_space<any>>)
    %dma_wait3A_704 = arith.constant 0 : i32
    %dma_wait3A_705 = arith.constant 0 : i32
    %dma_wait3A_706 = arith.constant 0 : i32
    %dma_wait3A_707 = arith.constant 0 : i32
    %dma_wait3A_708 = tpu.memref_slice %arg3[%dma_wait3A_704, %dma_wait3A_705, %dma_wait3A_706, %dma_wait3A_707] : memref<1024x16x16x192xf32, #tpu.memory_space<any>> -> memref<1x16x16x192xf32, #tpu.memory_space<any>>
    %dma_wait3A_709 = tpu.memref_squeeze %dma_wait3A_708 : memref<1x16x16x192xf32, #tpu.memory_space<any>> -> memref<16x16x192xf32, #tpu.memory_space<any>>
    %dma_wait3A_710 = arith.constant 0 : i32
    %dma_wait3A_711 = arith.constant 0 : i32
    %dma_wait3A_712 = arith.constant 0 : i32
    %dma_wait3A_713 = tpu.memref_slice %arg1[%dma_wait3A_710, %dma_wait3A_711, %dma_wait3A_712] : memref<16x512x192xf32, #tpu.memory_space<vmem>> -> memref<16x16x192xf32, #tpu.memory_space<vmem>>
    tpu.wait_dma2 semaphore(%arg4 : memref<!tpu.dma_semaphore, #tpu.memory_space<semaphore_mem>>) src(%dma_wait3A_713 : memref<16x16x192xf32, #tpu.memory_space<vmem>>) dst(%dma_wait3A_709 : memref<16x16x192xf32, #tpu.memory_space<any>>)
    %dma_wait3A_714 = arith.constant 0 : i32
    %dma_wait3A_715 = arith.constant 0 : i32
    %dma_wait3A_716 = arith.constant 0 : i32
    %dma_wait3A_717 = arith.constant 0 : i32
    %dma_wait3A_718 = tpu.memref_slice %arg3[%dma_wait3A_714, %dma_wait3A_715, %dma_wait3A_716, %dma_wait3A_717] : memref<1024x16x16x192xf32, #tpu.memory_space<any>> -> memref<1x16x16x192xf32, #tpu.memory_space<any>>
    %dma_wait3A_719 = tpu.memref_squeeze %dma_wait3A_718 : memref<1x16x16x192xf32, #tpu.memory_space<any>> -> memref<16x16x192xf32, #tpu.memory_space<any>>
    %dma_wait3A_720 = arith.constant 0 : i32
    %dma_wait3A_721 = arith.constant 0 : i32
    %dma_wait3A_722 = arith.constant 0 : i32
    %dma_wait3A_723 = tpu.memref_slice %arg1[%dma_wait3A_720, %dma_wait3A_721, %dma_wait3A_722] : memref<16x512x192xf32, #tpu.memory_space<vmem>> -> memref<16x16x192xf32, #tpu.memory_space<vmem>>
    tpu.wait_dma2 semaphore(%arg4 : memref<!tpu.dma_semaphore, #tpu.memory_space<semaphore_mem>>) src(%dma_wait3A_723 : memref<16x16x192xf32, #tpu.memory_space<vmem>>) dst(%dma_wait3A_719 : memref<16x16x192xf32, #tpu.memory_space<any>>)
    %dma_wait3A_724 = arith.constant 0 : i32
    %dma_wait3A_725 = arith.constant 0 : i32
    %dma_wait3A_726 = arith.constant 0 : i32
    %dma_wait3A_727 = arith.constant 0 : i32
    %dma_wait3A_728 = tpu.memref_slice %arg3[%dma_wait3A_724, %dma_wait3A_725, %dma_wait3A_726, %dma_wait3A_727] : memref<1024x16x16x192xf32, #tpu.memory_space<any>> -> memref<1x16x16x192xf32, #tpu.memory_space<any>>
    %dma_wait3A_729 = tpu.memref_squeeze %dma_wait3A_728 : memref<1x16x16x192xf32, #tpu.memory_space<any>> -> memref<16x16x192xf32, #tpu.memory_space<any>>
    %dma_wait3A_730 = arith.constant 0 : i32
    %dma_wait3A_731 = arith.constant 0 : i32
    %dma_wait3A_732 = arith.constant 0 : i32
    %dma_wait3A_733 = tpu.memref_slice %arg1[%dma_wait3A_730, %dma_wait3A_731, %dma_wait3A_732] : memref<16x512x192xf32, #tpu.memory_space<vmem>> -> memref<16x16x192xf32, #tpu.memory_space<vmem>>
    tpu.wait_dma2 semaphore(%arg4 : memref<!tpu.dma_semaphore, #tpu.memory_space<semaphore_mem>>) src(%dma_wait3A_733 : memref<16x16x192xf32, #tpu.memory_space<vmem>>) dst(%dma_wait3A_729 : memref<16x16x192xf32, #tpu.memory_space<any>>)
    return
  }
  func.func @transform_0(%arg0: i32) -> (i32, i32, i32) {
    %add3A = arith.constant 20 : i32
    %add3A_0 = arith.addi %add3A, %arg0 : i32
    %c0_i32 = arith.constant 0 : i32
    %c0_i32_1 = arith.constant 0 : i32
    %c0_i32_2 = arith.constant 0 : i32
    return %add3A_0, %c0_i32, %c0_i32_1 : i32, i32, i32
  }
}

</mosaic_0001>

<sc_bundles>
// kernel: kernel.4.cloned.1.call-start
scs
__scs_entry_jumppad:
0x0: {  	(pc) =	sbr.rel $0x88, $3  }
0x1: {  	(tag) =	ssettag $0x0;
	lr =	simm.s32 $0x1  }
0x2: {  	[smem:$0x3FA0] =	sst lr;
	_ =	strace $0xD0000000  }
0x3: {  	_ = 	snop  }
0x4: {  	_ = 	snop  }
0x5: {  	_ = 	snop  }
0x6: {  	_ = 	snop  }
0x7: {  	_ = 	snop  }
__scs_overlays_trampoline_lowered:
0x8: {  	[smem:$0x3FAF] =	sst s0  }
0x9: {  	[smem:$0x3FB0] =	sst s1  }
0xa: {  	[smem:$0x3FB1] =	sst s2  }
0xb: {  	[smem:$0x3FB2] =	sst s3  }
0xc: {  	[smem:$0x3FB3] =	sst s4  }
0xd: {  	[smem:$0x3FB4] =	sst s5  }
0xe: {  	[smem:$0x3FB5] =	sst s6  }
0xf: {  	[smem:$0x3FB6] =	sst s7  }
0x10: {  	[smem:$0x3FB7] =	sst s8  }
0x11: {  	[smem:$0x3FB8] =	sst s9;
	s0 =	simm.s32 @!p0 $0x0  }
0x12: {  	s1 =	sld [smem:$0x3F9E];
	s0 =	simm.s32 @p0 $0x1  }
0x13: {  	[smem:$0x3FB9] =	sst s0;
	s0 =	simm.s32 @!p1 $0x0  }
0x14: {  	s2 =	sld [smem:$0x3F9D];
	s0 =	simm.s32 @p1 $0x1  }
0x15: {  	[smem:$0x3FBA] =	sst s0;
	s0 =	simm.s32 @!p2 $0x0  }
0x16: {  	s3 =	sld [smem:$0x3FDB];
	s0 =	simm.s32 @p2 $0x1  }
0x17: {  	s4 =	simm.s32 $0x1BF5;
	[smem:$0x3FBC] =	sst s0  }
0x18: {  	s0 =	sld [smem:$0x3F9F];
	_ =	swait.ge [sflag:s4], $0x0  }
0x19: {  	s7 =	sld [smem:$0x3FA0]  }
0x1a: {  	s8 =	sadd.s32 $0xFFFFE003, lr  }
0x1b: {  	s9 =	sadd.s32 $0xFFFFFEF7, lr;
	s5 =	simm.s32 $0xFFFFFFFF;
	p2 =	slt.u32 s8, $0xFFFFF086  }
0x1c: {  	p1 =	slt.u32 s9, $0xF7A;
	s5 =	simm.s32 @!p2 $0x0  }
0x1d: {  	s5 =	simm.s32 @p1 $0x1;
	p0 =	seq.s32 s7, s2  }
0x1e: {  	s7 =	smul.u32 @!p0 $0xF7A, s2;
	p2 =	seq.s32 @!p0 s5, $0x0  }
0x1f: {  	s9 =	smul.u32 $0xF7A, s1;
	s8 =	simm.s32 @!p0 $0x1BF5;
	p2 =	por !p2, p0  }
0x20: {  	[sflag:s8] =	ssyncset.s32 @!p0 $0xFFFFF086;
	s6 =	sadd.s32 @!p0 s3, s7;
	s7 =	simm.s32 @!p0 $0x108  }
0x21: {  	s3 =	sadd.s32 s3, s9;
	s6 =	sadd.s32 @!p0 $0x88, s6;
	s7 =	simm.s32 @p2 $0x1082  }
0x22: {  	[simem:s7], [sflag:s8] =	dma.local @!p0 [hbm:s6], $0xF7A  }
0x23: {  	s9 =	sor.u32 $0xD0000000, s2;
	s6 =	simm.s32 $0x108;
	_ =	swait.ge @!p0 [sflag:s8], $0x0  }
0x24: {  	s3 =	sadd.s32 $0x88, s3;
	s6 =	simm.s32 @!p1 $0x1082;
	[sflag:s4] =	ssyncset.s32 $0xFFFFF086  }
0x25: {  	[simem:s6], [sflag:s4] =	dma.local [hbm:s3], $0xF7A  }
0x26: {  	[smem:$0x3FA0] =	sst s1;
	(tag) =	ssettag s2;
	_ =	strace s9  }
0x27: {  	s1 =	sld [smem:$0x3FB0]  }
0x28: {  	s2 =	sld [smem:$0x3FB1]  }
0x29: {  	s4 =	sld [smem:$0x3FB3]  }
0x2a: {  	p0 =	seq.s32 s5, $0x0;
	s5 =	sld [smem:$0x3FB4]  }
0x2b: {  	s6 =	sld [smem:$0x3FB5]  }
0x2c: {  	s7 =	sld [smem:$0x3FB6]  }
0x2d: {  	s3 =	simm.s32 $0x108;
	s8 =	sld [smem:$0x3FB7]  }
0x2e: {  	s3 =	simm.s32 @!p0 $0x1082;
	s9 =	sld [smem:$0x3FB8]  }
0x2f: {  	lr =	sadd.s32 s0, s3;
	s0 =	sld [smem:$0x3FAF]  }
0x30: {  	s3 =	sld [smem:$0x3FB2]  }
0x31: {  	[smem:$0x3FBB] =	sst s10  }
0x32: {  	s10 =	sld [smem:$0x3FB9];
	_ =	sdelay $0x3  }
0x33: {  	p0 =	seq.s32 s10, $0x1;
	s10 =	sld [smem:$0x3FBB];
	_ =	sdelay $0x3  }
0x34: {  	[smem:$0x3FBB] =	sst s10  }
0x35: {  	s10 =	sld [smem:$0x3FBA];
	_ =	sdelay $0x3  }
0x36: {  	p1 =	seq.s32 s10, $0x1;
	s10 =	sld [smem:$0x3FBB];
	_ =	sdelay $0x3  }
0x37: {  	[smem:$0x3FBB] =	sst s10  }
0x38: {  	s10 =	sld [smem:$0x3FBC]  }
0x39: {  	_ = 	snop;
	(pc) =	sbr.ind lr, $3  }
0x3a: {  	_ = 	snop  }
0x3b: {  	_ = 	snop  }
0x3c: {  	p2 =	seq.s32 s10, $0x1;
	s10 =	sld [smem:$0x3FBB]  }
0x3d: {  	_ =	shalt  }
0x3e: {  	_ =	shalt  }
0x3f: {  	_ =	shalt  }
0x40: {  	_ =	shalt  }
0x41: {  	_ =	shalt  }
0x42: {  	_ =	shalt  }
0x43: {  	_ =	shalt  }
0x44: {  	_ =	shalt  }
0x45: {  	_ =	shalt  }
0x46: {  	_ =	shalt  }
0x47: {  	_ =	shalt  }
0x48: {  	_ =	shalt  }
0x49: {  	_ =	shalt  }
0x4a: {  	_ =	shalt  }
0x4b: {  	_ =	shalt  }
0x4c: {  	_ =	shalt  }
0x4d: {  	_ =	shalt  }
0x4e: {  	_ =	shalt  }
0x4f: {  	_ =	shalt  }
0x50: {  	_ =	shalt  }
0x51: {  	_ =	shalt  }
0x52: {  	_ =	shalt  }
0x53: {  	_ =	shalt  }
0x54: {  	_ =	shalt  }
0x55: {  	_ =	shalt  }
0x56: {  	_ =	shalt  }
0x57: {  	_ =	shalt  }
0x58: {  	_ =	shalt  }
0x59: {  	_ =	shalt  }
0x5a: {  	_ =	shalt  }
0x5b: {  	_ =	shalt  }
0x5c: {  	_ =	shalt  }
0x5d: {  	_ =	shalt  }
0x5e: {  	_ =	shalt  }
0x5f: {  	_ =	shalt  }
0x60: {  	_ =	shalt  }
0x61: {  	_ =	shalt  }
0x62: {  	_ =	shalt  }
0x63: {  	_ =	shalt  }
0x64: {  	_ =	shalt  }
0x65: {  	_ =	shalt  }
0x66: {  	_ =	shalt  }
0x67: {  	_ =	shalt  }
0x68: {  	_ =	shalt  }
0x69: {  	_ =	shalt  }
0x6a: {  	_ =	shalt  }
0x6b: {  	_ =	shalt  }
0x6c: {  	_ =	shalt  }
0x6d: {  	_ =	shalt  }
0x6e: {  	_ =	shalt  }
0x6f: {  	_ =	shalt  }
0x70: {  	_ =	shalt  }
0x71: {  	_ =	shalt  }
0x72: {  	_ =	shalt  }
0x73: {  	_ =	shalt  }
0x74: {  	_ =	shalt  }
0x75: {  	_ =	shalt  }
0x76: {  	_ =	shalt  }
0x77: {  	_ =	shalt  }
0x78: {  	_ =	shalt  }
0x79: {  	_ =	shalt  }
0x7a: {  	_ =	shalt  }
0x7b: {  	_ =	shalt  }
0x7c: {  	_ =	shalt  }
0x7d: {  	_ =	shalt  }
0x7e: {  	_ =	shalt  }
0x7f: {  	_ =	shalt  }
0x80: {  	_ =	shalt  }
0x81: {  	_ =	shalt  }
0x82: {  	_ =	shalt  }
0x83: {  	_ =	shalt  }
0x84: {  	_ =	shalt  }
0x85: {  	_ =	shalt  }
0x86: {  	_ =	shalt  }
0x87: {  	_ =	shalt  }
.Lfunc_end0:
.L_simem_size_0:
called_computation.1_lowered:
.L_overlay_start_0:
0x88: {  	s2 =	sld [smem:$0x3FD9]  }
0x89: {  	s3 =	sld [smem:$0x3FFE];
	_ =	sdelay $0x1  }
0x8a: {  	s1 =	srdreg.scid  }
0x8b: {  	s0 =	sand.u32 $0x1, s1  }
0x8c: {  	s16 =	sshll.u32 s0, $0xA;
	s2 =	sadd.s32 s3, s2  }
0x8d: {  	s2 =	sadd.s32 s2, s16  }
0x8e: {  	[smem:$0x3FC7] =	sst s2  }
0x8f: {  	_ = 	snop  }
0x90: {  	(tm) =	ssettm $0x1  }
0x91: {  	s17 =	sld [smem:$0x3FFB];
	_ =	sdelay $0x3  }
0x92: {  	_ =	strace s17  }
0x93: {  	s2 =	sld [smem:$0x3FFC];
	_ =	sdelay $0x3  }
0x94: {  	_ =	strace s2  }
0x95: {  	s2 =	sld [smem:$0x3FFD];
	_ =	sdelay $0x3  }
0x96: {  	_ =	strace s2  }
0x97: {  	_ =	strace $0x8FFFFFFF  }
0x98: {  	s18 =	sld [smem:$0x3FDB];
	_ =	sdelay $0x1  }
0x99: {  	s19 =	simm.s32 $_scs_section_size  }
0x9a: {  	s4 =	simm.s32 $_size__tile_overlayer_lowered;
	s5 =	simm.s32 $_tile_overlayer_lowered  }
0x9b: {  	s22 =	simm.s32 $0x1BFF;
	s21 =	sshll.u32 s5, $0x1;
	s2 =	sadd.s32 s19, s18  }
0x9c: {  	s6 =	simm.s32 $0x0;
	s20 =	sshll.u32 s4, $0x1;
	s4 =	sadd.s32 s21, s2  }
0x9d: {  	[timem:s6], [sflag:s22] =	dma.local [hbm:s4], s20  }
0x9e: {  	_ =	swait.ge [sflag:s22], s20  }
0x9f: {  	s3 =	ssub.s32 $0x0, s20;
	[sflag:s22] =	ssyncset.done $0x0  }
0xa0: {  	[sflag:s22] =	ssyncadd.s32 s3;
	_ =	sdelay $0x1  }
0xa1: {  	s23 =	simm.s32 $0x1B8B  }
0xa2: {  	_ =	swait.ge [sflag:s23], $0x1  }
0xa3: {  	[sflag:s23] =	ssyncset.done $0x0  }
0xa4: {  	s25 =	simm.s32 $0x1B8E;
	s24 =	sld [smem:$0x3FFE];
	[sflag:s23] =	ssyncadd.s32 $0xFFFFFFFF  }
0xa5: {  	s26 =	simm.s32 $execute0_lowered;
	[smem:$0x3FD2] =	sst s25  }
0xa6: {  	s4 =	sshll.u32 s26, $0x1;
	_ =	strace $0x80000046;
	[dreg:$0x1] =	wrdreg $0xFFFFFFFF  }
0xa7: {  	s28 =	simm.s32 $_size_execute0_lowered;
	s2 =	sadd.s32 s2, s4;
	[dreg:$0x0] =	wrdreg $0x0  }
0xa8: {  	s4 =	sshll.u32 s28, $0x1;
	[dreg:$0x2] =	wrdreg s2  }
0xa9: {  	[dreg:$0x3] =	wrdreg s4  }
0xaa: {  	[dreg:$0x4] =	wrdreg $0xC0  }
0xab: {  	_ =	task [dreg:s6], $0x5FFFF  }
0xac: {  	[dreg:$0x1] =	wrdreg $0xFFFFFFFF  }
0xad: {  	[dreg:$0x0] =	wrdreg $0x60  }
0xae: {  	[dreg:$0x2] =	wrdreg s24  }
0xaf: {  	[dreg:$0x3] =	wrdreg $0x9  }
0xb0: {  	_ =	task.clear_ibuf [dreg:s6], $0x4FFFF;
	_ =	strace $0x90000046  }
0xb1: {  	s29 =	simm.s32 $0x9;
	_ =	strace $0x80000048  }
0xb2: {  	_ =	swait.ge [sflag:s29], $0x1  }
0xb3: {  	[sflag:s29] =	ssyncadd.s32 $0xFFFFFFFF  }
0xb4: {  	_ =	strace $0x90000048  }
0xb5: {  	_ =	sfence  }
0xb6: {  	s30 =	sld [smem:$0x0];
	_ =	sdelay $0x2  }
0xb7: {  	s31 =	sshll.u32 s1, $0xD;
	s1 =	sshrl.u32 s1, $0x2  }
0xb8: {  	s3 =	sand.u32 $0x4000, s31;
	s1 =	sadd.s32 s1, s30  }
0xb9: {  	s0 =	sor.u32 s3, s0;
	s1 =	sshll.u32 s1, $0x11  }
0xba: {  	s0 =	sor.u32 s1, s0  }
0xbb: {  	s0 =	sadd.s32 $0x8F2B, s0  }
0xbc: {  	[sflag:s0] =	ssyncadd.remote.s32 $0x1  }
0xbd: {  	_ =	sfence.sel $0xFFFF  }
0xbe: {  	[dreg:$0x0] =	wrdreg $0xFFFFFFFF;
	(pc) =	sbr.abs _section_cstart, $3  }
0xbf: {  	[dreg:$0x1] =	wrdreg $0xFFFFFFFF  }
0xc0: {  	_ =	task.clear_ibuf [dreg:s6], $0x2FFFF;
	_ =	strace $0x9FFFFFFF  }
0xc1: {  	(tm) =	ssettm $0x7FFFFFFF  }
tec
execute0_lowered:
.L_overlay_start_1:
0x0: {  	(tag) =	ssettag $0x1  }
0x1: {  	s0 =	srdreg.scid;
	s13 =	stileid.u32  }
0x2: {  	s9 =	rddreg [dreg:$0x0];
	s2 =	simm.s32 $0x0;
	s28 =	simm.s32 $0x6  }
0x3: {  	s29 =	simm.s32 $0x7;
	s30 =	simm.s32 $0x8;
	s31 =	simm.s32 $0x0  }
0x4: {  	s0 =	sand.u32 $0x1, s0;
	s1 =	sshll.u32 s13, $0x1;
	s21 =	smul.u32 $0x50, s13  }
0x5: {  	[smem:$0x7FF] =	sst s2;
	s3 =	sadd.s32 $0x800, s9;
	s15 =	smul.u32 $0x50000, s13  }
0x6: {  	s17 =	sadd.s32 $0x800800, s9;
	s1 =	sor.u32 s0, s1;
	s11 =	smul.u32 $0x28, s0  }
0x7: {  	s5 =	sadd.s32 $0x20800, s9;
	s7 =	ssub.s32 $0x2, s0;
	s6 =	smul.u32 $0x140000, s1  }
0x8: {  	s12 =	sadd.s32 $0x801800, s9;
	s1 =	smul.u32 $0x14000, s1;
	s8 =	sshrl.u32 s7, $0x1  }
0x9: {  	_ =	strace $0x80000047;
	s14 =	ssub.s32 s7, s8;
	s4 =	sand.u32 $0x3E00000, s6  }
0xa: {  	s1 =	sand.u32 $0x1C000, s1;
	s20 =	sshrl.u32 s6, $0x3;
	s6 =	sadd.s32 s11, s21  }
0xb: {  	s14 =	smax.u32 s14, $0x1;
	s21 =	simm.s32 $0x18000;
	s10 =	sadd.s32 $0x24000, s20  }
0xc: {  	s1 =	sor.u32 s1, s4;
	s6 =	sshll.u32 s6, $0xC;
	s22 =	sadd.s32 s17, s10  }
0xd: {  	s1 =	sshrl.u32 s1, $0x3;
	s23 =	sadd.s32 s10, s12;
	[dreg:$0x8] =	wrdreg s22  }
0xe: {  	s16 =	sadd.s32 s3, s1;
	s1 =	sadd.s32 s1, s5;
	[dreg:$0x9] =	wrdreg s23  }
0xf: {  	s22 =	simm.s32 $0x1;
	s23 =	simm.s32 $0x2;
	[dreg:$0x5] =	wrdreg s1  }
0x10: {  	s18 =	sadd.s32 $0x200, s16;
	[dreg:$0x4] =	wrdreg s16;
	s19 =	sadd.s32 $0x20200, s16  }
0x11: {  	s16 =	smul.u32 $0x5000, s13;
	s1 =	sadd.s32 $0x26000, s20;
	[dreg:$0x6] =	wrdreg s18  }
0x12: {  	s13 =	sadd.s32 s6, s17;
	[dreg:$0x7] =	wrdreg s19;
	s24 =	sadd.s32 s17, s1  }
0x13: {  	s20 =	simm.s32 $0x10000;
	s1 =	sadd.s32 s1, s12;
	[dreg:$0xa] =	wrdreg s24  }
0x14: {  	s18 =	smul.u32 $0x28000, s0;
	s25 =	sadd.s32 $0x2000, s13;
	[dreg:$0xb] =	wrdreg s1  }
0x15: {  	s0 =	smul.u32 $0x2800, s0;
	s19 =	simm.s32 $0x8000;
	[dreg:$0x2] =	wrdreg s25  }
0x16: {  	s24 =	simm.s32 $0x3;
	s25 =	simm.s32 $0x4;
	s15 =	sadd.s32 s18, s15  }
0x17: {  	s16 =	sadd.s32 s0, s16;
	s18 =	simm.s32 $0x20000;
	s26 =	sadd.s32 s17, s15  }
0x18: {  	s17 =	simm.s32 $0x1000;
	[dreg:$0x3] =	wrdreg s26;
	s26 =	simm.s32 $0x5  }
.LBB2_1:
0x19: {  	s0 =	rddreg [dreg:$0x4]  }
0x1a: {  	[tilespmem:s2], [sflag:$0x1] =	stream.strided.gather [hbm4b:s0+s17], $0x8000, s18, s17, $0x38;
	v63 =	vld [tilespmem:$0x0]  }
0x1b: {  	s7 =	rddreg [dreg:$0x5]  }
0x1c: {  	[tilespmem:s19], [sflag:$0x2] =	stream.strided.gather [hbm4b:s7+s17], $0x8000, s18, s17, $0x38;
	v63 =	vld [tilespmem:$0x0]  }
0x1d: {  	s8 =	rddreg [dreg:$0x6]  }
0x1e: {  	[tilespmem:s20], [sflag:$0x3] =	stream.strided.gather [hbm4b:s8+s17], $0x8000, s18, s17, $0x38;
	v63 =	vld [tilespmem:$0x0]  }
0x1f: {  	s9 =	rddreg [dreg:$0x7]  }
0x20: {  	[tilespmem:s21], [sflag:$0x4] =	stream.strided.gather [hbm4b:s9+s17], $0x8000, s18, s17, $0x38;
	v63 =	vld [tilespmem:$0x0]  }
0x21: {  	_ =	swait.ge [sflag:s22], $0x8000  }
0x22: {  	s10 =	rddreg [dreg:$0x3];
	[sflag:s22] =	ssyncset.done $0x0  }
0x23: {  	[sflag:s22] =	ssyncadd.s32 $0xFFFF8000;
	s0 =	sadd.s32 $0x0, s10  }
0x24: {  	[hbm4b:s0+s2] =	stream.linear.scatter [tilespmem:s2], [sflag:$0x5], $0x8000, $0x38;
	v63 =	vld [tilespmem:$0x0]  }
0x25: {  	_ =	swait.ge [sflag:s23], $0x8000  }
0x26: {  	s11 =	sadd.s32 $0x0, s13;
	[sflag:s23] =	ssyncset.done $0x0  }
0x27: {  	s1 =	sadd.s32 $0x1000, s11;
	[sflag:s23] =	ssyncadd.s32 $0xFFFF8000  }
0x28: {  	[hbm4b:s1+s2] =	stream.linear.scatter [tilespmem:s19], [sflag:$0x6], $0x8000, $0x38;
	v63 =	vld [tilespmem:$0x0]  }
0x29: {  	_ =	swait.ge [sflag:s24], $0x8000  }
0x2a: {  	s12 =	rddreg [dreg:$0x2];
	[sflag:s24] =	ssyncset.done $0x0  }
0x2b: {  	[sflag:s24] =	ssyncadd.s32 $0xFFFF8000;
	s1 =	sadd.s32 $0x0, s12  }
0x2c: {  	[hbm4b:s1+s2] =	stream.linear.scatter [tilespmem:s20], [sflag:$0x7], $0x8000, $0x38;
	v63 =	vld [tilespmem:$0x0]  }
0x2d: {  	s6 =	sadd.s32 $0x0, s15;
	_ =	swait.ge [sflag:s25], $0x8000  }
0x2e: {  	s4 =	sadd.s32 $0x4000, s6;
	[sflag:s25] =	ssyncset.done $0x0  }
0x2f: {  	s0 =	sadd.s32 $0x3000, s11;
	s1 =	sadd.s32 $0x400, s16;
	[sflag:s25] =	ssyncadd.s32 $0xFFFF8000  }
0x30: {  	[hbm4b:s0+s2] =	stream.linear.scatter [tilespmem:s21], [sflag:$0x8], $0x8000, $0x38;
	v63 =	vld [tilespmem:$0x0]  }
0x31: {  	s8 =	sadd.s32 $0x5000, s6;
	s7 =	sand.u32 $0x3C00, s1;
	_ =	swait.ge [sflag:s26], $0x8000  }
0x32: {  	s7 =	sadd.s32 s3, s7;
	s0 =	sand.u32 $0xFFC0000, s4;
	[sflag:s26] =	ssyncset.done $0x0  }
0x33: {  	s0 =	sadd.s32 s0, s7;
	s7 =	sadd.s32 $0x500, s16;
	[sflag:s26] =	ssyncadd.s32 $0xFFFF8000  }
0x34: {  	[tilespmem:s2], [sflag:$0x1] =	stream.strided.gather [hbm4b:s0+s17], $0x8000, s18, s17, $0x38;
	v63 =	vld [tilespmem:$0x0]  }
0x35: {  	s0 =	sand.u32 $0x3C00, s7;
	s7 =	sand.u32 $0xFFC0000, s8;
	_ =	swait.ge [sflag:s28], $0x8000  }
0x36: {  	s9 =	sadd.s32 $0x600, s16;
	s0 =	sor.u32 s0, s7;
	[sflag:s28] =	ssyncset.done $0x0  }
0x37: {  	s10 =	sadd.s32 $0x6000, s6;
	s0 =	sadd.s32 s0, s5;
	[sflag:s28] =	ssyncadd.s32 $0xFFFF8000  }
0x38: {  	[tilespmem:s19], [sflag:$0x2] =	stream.strided.gather [hbm4b:s0+s17], $0x8000, s18, s17, $0x38;
	v63 =	vld [tilespmem:$0x0]  }
0x39: {  	s11 =	sadd.s32 $0x7000, s6;
	s7 =	sand.u32 $0x3E00, s9;
	_ =	swait.ge [sflag:s29], $0x8000  }
0x3a: {  	s7 =	sadd.s32 s3, s7;
	s0 =	sand.u32 $0xFFC0000, s10;
	[sflag:s29] =	ssyncset.done $0x0  }
0x3b: {  	s12 =	sadd.s32 $0x700, s16;
	s0 =	sadd.s32 s0, s7;
	[sflag:s29] =	ssyncadd.s32 $0xFFFF8000  }
0x3c: {  	[tilespmem:s20], [sflag:$0x3] =	stream.strided.gather [hbm4b:s0+s17], $0x8000, s18, s17, $0x38;
	v63 =	vld [tilespmem:$0x0]  }
0x3d: {  	s6 =	sand.u32 $0x3E00, s12;
	s0 =	sand.u32 $0xFFC0000, s11;
	_ =	swait.ge [sflag:s30], $0x8000  }
0x3e: {  	s6 =	sor.u32 s6, s0;
	s0 =	simm.s32 $0x4000;
	[sflag:s30] =	ssyncset.done $0x0  }
.LBB2_2:
0x3f: {  	[sflag:s30] =	ssyncadd.s32 $0xFFFF8000;
	s6 =	sadd.s32 s6, s5  }
0x40: {  	[tilespmem:s21], [sflag:$0x4] =	stream.strided.gather [hbm4b:s6+s17], $0x8000, s18, s17, $0x38;
	v63 =	vld [tilespmem:$0x0]  }
0x41: {  	_ =	swait.ge [sflag:s22], $0x8000  }
0x42: {  	s7 =	smov.u32 s0;
	s8 =	rddreg [dreg:$0x3];
	[sflag:s22] =	ssyncset.done $0x0  }
0x43: {  	[sflag:s22] =	ssyncadd.s32 $0xFFFF8000;
	s8 =	sadd.s32 s7, s8  }
0x44: {  	[hbm4b:s8+s2] =	stream.linear.scatter [tilespmem:s2], [sflag:$0x5], $0x8000, $0x38;
	v63 =	vld [tilespmem:$0x0]  }
0x45: {  	_ =	swait.ge [sflag:s23], $0x8000  }
0x46: {  	s11 =	sadd.s32 s7, s13;
	[sflag:s23] =	ssyncset.done $0x0  }
0x47: {  	s9 =	sadd.s32 $0x1000, s11;
	[sflag:s23] =	ssyncadd.s32 $0xFFFF8000  }
0x48: {  	[hbm4b:s9+s2] =	stream.linear.scatter [tilespmem:s19], [sflag:$0x6], $0x8000, $0x38;
	v63 =	vld [tilespmem:$0x0]  }
0x49: {  	_ =	swait.ge [sflag:s24], $0x8000  }
0x4a: {  	s12 =	rddreg [dreg:$0x2];
	[sflag:s24] =	ssyncset.done $0x0  }
0x4b: {  	p0 =	sne.s32 s0, $0x20000;
	[sflag:s24] =	ssyncadd.s32 $0xFFFF8000;
	s9 =	sadd.s32 s7, s12  }
0x4c: {  	[hbm4b:s9+s2] =	stream.linear.scatter [tilespmem:s20], [sflag:$0x7], $0x8000, $0x38;
	v63 =	vld [tilespmem:$0x0]  }
0x4d: {  	s4 =	sadd.s32 $0x500, s1;
	s6 =	smov.u32 s1;
	_ =	swait.ge [sflag:s25], $0x8000  }
0x4e: {  	s1 =	sadd.s32 $0x400, s1;
	s8 =	sadd.s32 $0x3000, s11;
	[sflag:s25] =	ssyncset.done $0x0  }
0x4f: {  	s11 =	sand.u32 $0x3C00, s1;
	s7 =	sadd.s32 s7, s15;
	[sflag:s25] =	ssyncadd.s32 $0xFFFF8000  }
0x50: {  	[hbm4b:s8+s2] =	stream.linear.scatter [tilespmem:s21], [sflag:$0x8], $0x8000, $0x38;
	v63 =	vld [tilespmem:$0x0]  }
0x51: {  	s9 =	sand.u32 $0x3C00, s4;
	s4 =	sadd.s32 $0x4000, s7;
	_ =	swait.ge [sflag:s26], $0x8000  }
0x52: {  	s11 =	sadd.s32 s3, s11;
	s4 =	sand.u32 $0xFFC0000, s4;
	[sflag:s26] =	ssyncset.done $0x0  }
0x53: {  	s10 =	sadd.s32 $0x5000, s7;
	s4 =	sadd.s32 s4, s11;
	[sflag:s26] =	ssyncadd.s32 $0xFFFF8000  }
0x54: {  	[tilespmem:s2], [sflag:$0x1] =	stream.strided.gather [hbm4b:s4+s17], $0x8000, s18, s17, $0x38;
	v63 =	vld [tilespmem:$0x0]  }
0x55: {  	s12 =	sadd.s32 $0x6000, s7;
	s10 =	sand.u32 $0xFFC0000, s10;
	_ =	swait.ge [sflag:s28], $0x8000  }
0x56: {  	s7 =	sadd.s32 $0x7000, s7;
	s8 =	sor.u32 s9, s10;
	[sflag:s28] =	ssyncset.done $0x0  }
0x57: {  	s10 =	sadd.s32 $0x600, s6;
	s9 =	sadd.s32 s8, s5;
	[sflag:s28] =	ssyncadd.s32 $0xFFFF8000  }
0x58: {  	[tilespmem:s19], [sflag:$0x2] =	stream.strided.gather [hbm4b:s9+s17], $0x8000, s18, s17, $0x38;
	v63 =	vld [tilespmem:$0x0]  }
0x59: {  	s11 =	sand.u32 $0xFFC0000, s12;
	s8 =	sand.u32 $0x3E00, s10;
	_ =	swait.ge [sflag:s29], $0x8000  }
.Ltmp0:
0x5a: {  	s8 =	sadd.s32 s3, s8;
	[sflag:s29] =	ssyncset.done $0x0;
	(pc) =	sbr.rel @p0 .LBB2_2-.Ltmp0, $4  }
0x5b: {  	s6 =	sadd.s32 $0x700, s6;
	s4 =	sadd.s32 s11, s8;
	[sflag:s29] =	ssyncadd.s32 $0xFFFF8000  }
0x5c: {  	[tilespmem:s20], [sflag:$0x3] =	stream.strided.gather [hbm4b:s4+s17], $0x8000, s18, s17, $0x38;
	v63 =	vld [tilespmem:$0x0]  }
0x5d: {  	s7 =	sand.u32 $0xFFC0000, s7;
	s12 =	sand.u32 $0x3E00, s6;
	_ =	swait.ge [sflag:s30], $0x8000  }
0x5e: {  	s0 =	sadd.s32 $0x4000, s0;
	s6 =	sor.u32 s12, s7;
	[sflag:s30] =	ssyncset.done $0x0  }
0x5f: {  	[sflag:s30] =	ssyncadd.s32 $0xFFFF8000;
	s0 =	sadd.s32 s6, s5  }
0x60: {  	[tilespmem:s21], [sflag:$0x4] =	stream.strided.gather [hbm4b:s0+s17], $0x8000, s18, s17, $0x38;
	v63 =	vld [tilespmem:$0x0]  }
0x61: {  	_ =	swait.ge [sflag:s22], $0x8000  }
0x62: {  	[sflag:s22] =	ssyncset.done $0x0  }
0x63: {  	s9 =	rddreg [dreg:$0x8];
	[sflag:s22] =	ssyncadd.s32 $0xFFFF8000  }
0x64: {  	[hbm4b:s9+s2] =	stream.linear.scatter [tilespmem:s2], [sflag:$0x5], $0x8000, $0x38;
	v63 =	vld [tilespmem:$0x0]  }
0x65: {  	_ =	swait.ge [sflag:s23], $0x8000  }
0x66: {  	[sflag:s23] =	ssyncset.done $0x0  }
0x67: {  	s10 =	rddreg [dreg:$0x9];
	[sflag:s23] =	ssyncadd.s32 $0xFFFF8000  }
0x68: {  	[hbm4b:s10+s2] =	stream.linear.scatter [tilespmem:s19], [sflag:$0x6], $0x8000, $0x38;
	v63 =	vld [tilespmem:$0x0]  }
0x69: {  	_ =	swait.ge [sflag:s24], $0x8000  }
0x6a: {  	[sflag:s24] =	ssyncset.done $0x0  }
0x6b: {  	s11 =	rddreg [dreg:$0xa];
	[sflag:s24] =	ssyncadd.s32 $0xFFFF8000  }
0x6c: {  	[hbm4b:s11+s2] =	stream.linear.scatter [tilespmem:s20], [sflag:$0x7], $0x8000, $0x38;
	v63 =	vld [tilespmem:$0x0]  }
0x6d: {  	_ =	swait.ge [sflag:s25], $0x8000  }
0x6e: {  	[sflag:s25] =	ssyncset.done $0x0  }
0x6f: {  	s12 =	rddreg [dreg:$0xb];
	[sflag:s25] =	ssyncadd.s32 $0xFFFF8000  }
0x70: {  	[hbm4b:s12+s2] =	stream.linear.scatter [tilespmem:s21], [sflag:$0x8], $0x8000, $0x38;
	v63 =	vld [tilespmem:$0x0]  }
0x71: {  	_ =	swait.ge [sflag:s26], $0x8000  }
0x72: {  	[sflag:s26] =	ssyncset.done $0x0  }
0x73: {  	[sflag:s26] =	ssyncadd.s32 $0xFFFF8000  }
0x74: {  	_ =	swait.ge [sflag:s28], $0x8000  }
0x75: {  	[sflag:s28] =	ssyncset.done $0x0  }
0x76: {  	s31 =	sadd.s32 $0x1, s31;
	[sflag:s28] =	ssyncadd.s32 $0xFFFF8000  }
0x77: {  	p0 =	sne.s32 s31, s14;
	_ =	swait.ge [sflag:s29], $0x8000  }
.Ltmp1:
0x78: {  	[sflag:s29] =	ssyncset.done $0x0;
	(pc) =	sbr.rel @p0 .LBB2_1-.Ltmp1, $4  }
0x79: {  	[sflag:s29] =	ssyncadd.s32 $0xFFFF8000  }
0x7a: {  	_ =	swait.ge [sflag:s30], $0x8000  }
0x7b: {  	[sflag:s30] =	ssyncset.done $0x0  }
0x7c: {  	[sflag:s30] =	ssyncadd.s32 $0xFFFF8000  }
0x7d: {  	_ =	sfence.sel $0x180000  }
0x7e: {  	[bflag:$0x0] =	sbarrier.arrive $0xFFFF  }
0x7f: {  	_ =	strace $0x90000047  }
0x80: {  	s0 =	stileid.u32;
	[bflag:$0x2] =	sbarrier.arrive $0xFFFF  }
0x81: {  	p0 =	sne.s32 s0, $0x0;
	s0 =	rddreg [dreg:$0x1]  }
0x82: {  	s0 =	sadd.s32 @!p0 $0x100000, s0  }
0x83: {  	[sflag:s0] =	ssyncadd.tile.s32 @!p0 $0x1;
	_ =	shalt  }
.Lfunc_end2:
_tile_overlayer_lowered:
.L_overlay_start_2:
0x84: {  	(tag) =	ssettag $0x2  }
0x85: {  	s0 =	rddreg [dreg:$0x0];
	s2 =	stileid.u32  }
0x86: {  	s1 =	rddreg [dreg:$0x1];
	p0 =	sne.s32 s2, $0x0  }
0x87: {  	s3 =	rddreg [dreg:$0x2];
	[bflag:$0x3] =	sbarrier.arrive $0xFFFF;
	s2 =	simm.s32 @!p0 $0x1C09  }
0x88: {  	[timem:s3], [sflag:s2] =	dma.local @!p0 [hbm:s0], s1  }
0x89: {  	s0 =	simm.s32 @!p0 $0x9  }
0x8a: {  	_ =	swait.ge @!p0 [sflag:s0], s1  }
0x8b: {  	s1 =	ssub.s32 @!p0 $0x0, s1;
	[sflag:s0] =	ssyncset.done @!p0 $0x0  }
0x8c: {  	[sflag:s0] =	ssyncadd.s32 @!p0 s1  }
0x8d: {  	[bflag:$0x3] =	sbarrier.arrive $0xFFFF  }
0x8e: {  	_ =	shalt  }

// kernel: sparse-core-data-format-call.cloned.1.call-start
scs
called_computation_lowered:
.L_overlay_start_0:
0x0: {  	s2 =	sld [smem:$0x3FD9]  }
0x1: {  	s3 =	sld [smem:$0x3FFE];
	_ =	sdelay $0x1  }
0x2: {  	s1 =	srdreg.scid  }
0x3: {  	s0 =	sand.u32 $0x1, s1  }
0x4: {  	s18 =	sshll.u32 s0, $0xA;
	s2 =	sadd.s32 s3, s2  }
0x5: {  	s2 =	sadd.s32 s2, s18  }
0x6: {  	[smem:$0x3FC7] =	sst s2  }
0x7: {  	_ = 	snop  }
0x8: {  	s2 =	sld [smem:$0x3FD0];
	(tm) =	ssettm $0x1  }
0x9: {  	s19 =	sld [smem:$0x3FFB];
	_ =	sdelay $0x3  }
0xa: {  	_ =	strace s19  }
0xb: {  	s3 =	sld [smem:$0x3FFC];
	_ =	sdelay $0x3  }
0xc: {  	_ =	strace s3  }
0xd: {  	s3 =	sld [smem:$0x3FFD];
	_ =	sdelay $0x3  }
0xe: {  	_ =	strace s3  }
0xf: {  	_ =	strace $0x8FFFFFFF  }
0x10: {  	s20 =	sld [smem:$0x3FDB];
	_ =	sdelay $0x1  }
0x11: {  	s4 =	simm.s32 $_scs_section_size  }
0x12: {  	s5 =	simm.s32 $_size__tile_overlayer_lowered;
	s6 =	simm.s32 $_tile_overlayer_lowered  }
0x13: {  	s23 =	simm.s32 $0x1BFF;
	s22 =	sshll.u32 s6, $0x1;
	s3 =	sadd.s32 s4, s20  }
0x14: {  	s7 =	simm.s32 $0x0;
	s21 =	sshll.u32 s5, $0x1;
	s5 =	sadd.s32 s22, s3  }
0x15: {  	[timem:s7], [sflag:s23] =	dma.local [hbm:s5], s21  }
0x16: {  	_ =	swait.ge [sflag:s23], s21  }
0x17: {  	s4 =	ssub.s32 $0x0, s21;
	[sflag:s23] =	ssyncset.done $0x0  }
0x18: {  	[sflag:s23] =	ssyncadd.s32 s4;
	_ =	sdelay $0x1  }
0x19: {  	s24 =	simm.s32 $0x1B8B  }
0x1a: {  	_ =	swait.ge [sflag:s24], $0x1  }
0x1b: {  	[sflag:s24] =	ssyncset.done $0x0  }
0x1c: {  	s26 =	simm.s32 $0x1B8E;
	s25 =	sld [smem:$0x3FFE];
	[sflag:s24] =	ssyncadd.s32 $0xFFFFFFFF  }
0x1d: {  	s27 =	simm.s32 $execute0_lowered;
	[smem:$0x3FD2] =	sst s26  }
0x1e: {  	s5 =	sshll.u32 s27, $0x1;
	_ =	strace $0x80000049;
	[dreg:$0x1] =	wrdreg $0xFFFFFFFF  }
0x1f: {  	s28 =	simm.s32 $_size_execute0_lowered;
	s3 =	sadd.s32 s3, s5;
	[dreg:$0x0] =	wrdreg $0x0  }
0x20: {  	s5 =	sshll.u32 s28, $0x1;
	[dreg:$0x2] =	wrdreg s3  }
0x21: {  	[dreg:$0x3] =	wrdreg s5  }
0x22: {  	[dreg:$0x4] =	wrdreg $0xC0  }
0x23: {  	_ =	task [dreg:s7], $0x5FFFF  }
0x24: {  	[dreg:$0x1] =	wrdreg $0xFFFFFFFF  }
0x25: {  	[dreg:$0x0] =	wrdreg $0x60  }
0x26: {  	[dreg:$0x2] =	wrdreg s25  }
0x27: {  	[dreg:$0x3] =	wrdreg s2  }
0x28: {  	[dreg:$0x4] =	wrdreg $0x9  }
0x29: {  	_ =	task.clear_ibuf [dreg:s7], $0x5FFFF;
	_ =	strace $0x90000049  }
0x2a: {  	s29 =	simm.s32 $0x9;
	_ =	strace $0x8000004B  }
0x2b: {  	_ =	swait.ge [sflag:s29], $0x1  }
0x2c: {  	[sflag:s29] =	ssyncadd.s32 $0xFFFFFFFF  }
0x2d: {  	_ =	strace $0x9000004B  }
0x2e: {  	_ =	sfence  }
0x2f: {  	s30 =	sld [smem:$0x0];
	_ =	sdelay $0x2  }
0x30: {  	s31 =	sshll.u32 s1, $0xD;
	s1 =	sshrl.u32 s1, $0x2  }
0x31: {  	s3 =	sand.u32 $0x4000, s31;
	s1 =	sadd.s32 s1, s30  }
0x32: {  	s0 =	sor.u32 s3, s0;
	s1 =	sshll.u32 s1, $0x11  }
0x33: {  	s0 =	sor.u32 s1, s0  }
0x34: {  	s0 =	sadd.s32 $0x8F2B, s0  }
0x35: {  	[sflag:s0] =	ssyncadd.remote.s32 $0x1  }
0x36: {  	_ =	sfence.sel $0xFFFF  }
0x37: {  	[dreg:$0x0] =	wrdreg $0xFFFFFFFF;
	(pc) =	sbr.abs _section_cstart, $3  }
0x38: {  	[dreg:$0x1] =	wrdreg $0xFFFFFFFF  }
0x39: {  	_ =	task.clear_ibuf [dreg:s7], $0x2FFFF;
	_ =	strace $0x9FFFFFFF  }
0x3a: {  	(tm) =	ssettm $0x7FFFFFFF  }
0x3b: {  	_ =	shalt  }
tec
execute0_lowered:
.L_overlay_start_1:
0x0: {  	(tag) =	ssettag $0x1  }
0x1: {  	s4 =	rddreg [dreg:$0x0];
	s0 =	stileid.u32  }
0x2: {  	s2 =	rddreg [dreg:$0x1];
	_ =	strace $0x8000004A;
	s5 =	srdreg.scid  }
0x3: {  	s31 =	simm.s32 $0x2;
	s19 =	simm.s32 $0x0;
	s9 =	simm.s32 $0x2000  }
0x4: {  	s21 =	simm.s32 $0x0;
	s22 =	simm.s32 $0x0;
	s20 =	simm.s32 $0x0  }
0x5: {  	s10 =	simm.s32 $0x0;
	s11 =	simm.s32 $0x0;
	s12 =	simm.s32 $0x0  }
0x6: {  	s13 =	simm.s32 $0x0;
	s14 =	simm.s32 $0x0;
	s3 =	sshll.u32 s0, $0x7  }
0x7: {  	s15 =	simm.s32 $0x0;
	s5 =	sshll.u32 s5, $0x4;
	s3 =	sand.u32 $0x380, s3  }
0x8: {  	s18 =	simm.s32 $0x0;
	s5 =	sand.u32 $0x10, s5;
	s6 =	ssub.s32 $0x400, s3  }
0x9: {  	s4 =	sadd.s32 $0x800800, s4;
	s5 =	sor.u32 s0, s5;
	s7 =	sand.u32 $0x380, s6  }
.Ltmp0:
0xa: {  	p0 =	sne.s32 s7, $0x0;
	s7 =	simm.s32 $0x1;
	(pc) =	sbr.rel .LBB1_1-.Ltmp0, $4  }
0xb: {  	s17 =	smov.u32 s3;
	s8 =	sshrl.u32 s6, $0xA;
	s7 =	simm.s32 @!p0 $0x0  }
0xc: {  	s5 =	sshrl.u32 s5, $0x3;
	s6 =	simm.s32 $0x1;
	s7 =	sadd.s32 s7, s8  }
0xd: {  	[sflag:s6] =	ssyncpa.u1 $0x0;
	s16 =	smov.u32 s5;
	s7 =	sshll.u32 s7, $0x7  }
0xe: {  	[sflag:s31] =	ssyncpa.u1 $0x0;
	p0 =	por $0x0, $0x0;
	s8 =	sor.u32 $0x1, s7  }
.LBB1_4:
0xf: {  	s27 =	sshra.s32 s27, $0x2  }
0x10: {  	p1 =	sgt.s32 s12, $0xF;
	s28 =	smov.u32 s12;
	s29 =	sshra.s32 s12, $0x1F  }
0x11: {  	s31 =	sshll.u32 s10, $0xA;
	s30 =	sshll.u32 s13, $0x3;
	p2 =	sgt.s32 s11, $0xF  }
0x12: {  	s26 =	sadd.s32 s27, s26;
	s28 =	simm.s32 @!p1 $0xF;
	s1 =	sand.u32 s29, s12  }
0x13: {  	s29 =	smov.u32 s11;
	s27 =	ssub.s32 s28, s1;
	s28 =	sand.u32 $0xFFFFE000, s31  }
0x14: {  	s1 =	sand.u32 $0xFFFFFC00, s30;
	s29 =	simm.s32 @!p2 $0xF;
	p2 =	sgt.s32 s13, $0x380  }
0x15: {  	s31 =	sadd.s32 $0xFFFFFFF1, s27;
	s28 =	sadd.s32 s1, s28;
	s1 =	sshra.s32 s11, $0x1F  }
0x16: {  	s27 =	ssub.s32 $0x10, s27;
	p1 =	sgt.s32 s31, $0x0;
	s30 =	sand.u32 s1, s11  }
0x17: {  	s31 =	smov.u32 s13;
	s1 =	sshra.s32 s13, $0x1F;
	s29 =	ssub.s32 s29, s30  }
0x18: {  	s31 =	simm.s32 @!p2 $0x380;
	s1 =	sand.u32 s1, s13;
	s27 =	simm.s32 @p1 $0x0  }
0x19: {  	p2 =	sgt.s32 s10, $0x40;
	s30 =	sadd.s32 $0xFFFFFFF1, s29;
	s1 =	ssub.s32 s31, s1  }
0x1a: {  	p1 =	sgt.s32 s30, $0x0;
	s30 =	smov.u32 s10;
	s31 =	sadd.s32 $0xFFFFFC80, s1  }
0x1b: {  	v5 =	vld [tilespmem:s24+$0xFFFFFFD0];
	[tilespmem:s25+$0x2040 ss:$0x81] =	vst.msk $0xffff, v4;
	s30 =	simm.s32 @!p2 $0x40;
	p2 =	sgt.s32 s31, $0x7F;
	s31 =	sshra.s32 s10, $0x1F  }
0x1c: {  	v58 =	vld [tilespmem:s24+$0xFFFFFFE0];
	[tilespmem:s25+$0x2850 ss:$0x81] =	vst.msk $0xffff, v3;
	s28 =	sshrl.u32 s28, $0xA;
	s1 =	ssub.s32 $0x400, s1;
	s31 =	sand.u32 s31, s10  }
0x1d: {  	v59 =	vld [tilespmem:s24+$0xFFFFFFF0];
	[tilespmem:s25+$0x3060 ss:$0x81] =	vst.msk $0xffff, v2;
	s1 =	simm.s32 @p2 $0x0;
	s30 =	ssub.s32 s30, s31;
	s31 =	smulhi.u32 $0x1555556, s28  }
0x1e: {  	v60 =	vld [tilespmem:s24+$0x0];
	[tilespmem:s25+$0x0 ss:$0x81] =	vst.msk $0xffff, v0;
	s25 =	sand.u32 $0x78, s13;
	s29 =	ssub.s32 $0x10, s29;
	s1 =	smul.u32 s1, s27  }
0x1f: {  	v61 =	vld [tilespmem:s24+$0x10];
	[tilespmem:s26+$0x3870 ss:$0x81] =	vst.msk $0xffff, v1;
	s29 =	simm.s32 @p1 $0x0;
	s27 =	sshll.u32 s10, $0x7;
	s31 =	smul.u32 $0xC0, s31  }
0x20: {  	v62 =	vld [tilespmem:s24+$0x20];
	[tilespmem:s26+$0x810 ss:$0x81] =	vst.msk $0xffff, v5;
	s27 =	sand.u32 $0x380, s27;
	s1 =	smul.u32 s29, s1;
	s29 =	sadd.s32 $0xFFFFFFC0, s30  }
0x21: {  	v63 =	vld [tilespmem:s24+$0xFFFFFFC0];
	[tilespmem:s26+$0x1020 ss:$0x81] =	vst.msk $0xffff, v58;
	s25 =	sor.u32 s25, s27;
	p1 =	sgt.s32 s29, $0x7F;
	s29 =	smul.u32 $0x60000, s12  }
0x22: {  	[tilespmem:s26+$0x1830 ss:$0x81] =	vst.msk $0xffff, v59;
	s24 =	ssub.s32 $0xC0, s30;
	s30 =	smul.u32 $0x6000, s11;
	s25 =	sshrl.u32 s25, $0x3  }
0x23: {  	[tilespmem:s26+$0x2040 ss:$0x81] =	vst.msk $0xffff, v60;
	s24 =	simm.s32 @p1 $0x0;
	s28 =	ssub.s32 s28, s31;
	s29 =	sadd.s32 s2, s29  }
0x24: {  	[tilespmem:s26+$0x2850 ss:$0x81] =	vst.msk $0xffff, v61;
	s1 =	smul.u32 s24, s1;
	s24 =	sadd.s32 s30, s29;
	s30 =	sand.u32 $0x7, s13  }
0x25: {  	[tilespmem:s26+$0x3060 ss:$0x81] =	vst.msk $0xffff, v62;
	s28 =	sshll.u32 s28, $0x7;
	s24 =	sadd.s32 s25, s24;
	s31 =	sshll.u32 s30, $0x12  }
0x26: {  	[tilespmem:s26+$0x0 ss:$0x81] =	vst.msk $0xffff, v63;
	s1 =	sand.u32 $0x3FFFFFFF, s1;
	s24 =	sadd.s32 s28, s24;
	s25 =	sor.u32 $0x400, s31  }
0x27: {  	[hbm4b:s24+s25] =	stream.strided.scatter [tilespmem:s23], [sflag:$0x2], s1, s9, s25, $0x20;
	[tilespmem:$0x10100] =	vst v63  }
.LBB1_5:
0x28: {  	p1 =	slt.u32 s18, $0x2;
	s1 =	smov.u32 s22  }
0x29: {  	s25 =	smov.u32 s16;
	s26 =	smov.u32 s17;
	p0 =	por !p0, !p0  }
0x2a: {  	p2 =	sgt.s32 @!p1 s22, $0xF;
	s23 =	sshra.s32 @!p1 s22, $0x1F;
	p3 =	sgt.s32 @!p1 s20, $0x380  }
0x2b: {  	p2 =	por !p2, p1;
	s22 =	sand.u32 @!p1 s23, s22;
	s23 =	sshra.s32 @!p1 s21, $0x1F  }
0x2c: {  	p3 =	por !p3, p1;
	s1 =	simm.s32 @p2 $0xF;
	p2 =	sgt.s32 @!p1 s21, $0xF  }
0x2d: {  	s1 =	ssub.s32 @!p1 s1, s22;
	p2 =	por !p2, p1;
	s22 =	smov.u32 s21  }
0x2e: {  	s21 =	sand.u32 @!p1 s23, s21;
	s23 =	sadd.s32 @!p1 $0xFFFFFFF1, s1;
	s22 =	simm.s32 @p2 $0xF  }
0x2f: {  	s1 =	ssub.s32 @!p1 $0x10, s1;
	p2 =	sgt.s32 @!p1 s23, $0x0;
	s21 =	ssub.s32 @!p1 s22, s21  }
0x30: {  	s23 =	sshra.s32 @!p1 s20, $0x1F;
	p2 =	por !p2, p1;
	s22 =	sadd.s32 @!p1 $0xFFFFFFF1, s21  }
0x31: {  	s21 =	ssub.s32 @!p1 $0x10, s21;
	s1 =	simm.s32 @!p2 $0x0;
	p2 =	sgt.s32 @!p1 s22, $0x0  }
0x32: {  	s22 =	smov.u32 s20;
	s20 =	sand.u32 @!p1 s23, s20;
	s23 =	sshra.s32 @!p1 s19, $0x1F  }
0x33: {  	p2 =	por !p2, p1;
	s22 =	simm.s32 @p3 $0x380;
	p3 =	sgt.s32 @!p1 s19, $0x40  }
0x34: {  	s20 =	ssub.s32 @!p1 s22, s20;
	p3 =	por !p3, p1;
	s22 =	smov.u32 s19  }
0x35: {  	s19 =	sand.u32 @!p1 s23, s19;
	s21 =	simm.s32 @!p2 $0x0;
	s23 =	sadd.s32 @!p1 $0xFFFFFC80, s20  }
0x36: {  	s22 =	simm.s32 @p3 $0x40;
	s20 =	ssub.s32 @!p1 $0x400, s20;
	p2 =	sgt.s32 @!p1 s23, $0x7F  }
0x37: {  	s19 =	ssub.s32 @!p1 s22, s19;
	s23 =	sadd.s32 $0x80, s14;
	p2 =	por !p2, p1  }
0x38: {  	s22 =	sadd.s32 @!p1 $0xFFFFFFC0, s19;
	s20 =	simm.s32 @!p2 $0x0;
	p2 =	sgt.s32 s23, $0xBF  }
0x39: {  	p3 =	sgt.s32 @!p1 s22, $0x7F;
	s1 =	smul.u32 @!p1 s20, s1;
	s20 =	simm.s32 $0x1  }
0x3a: {  	s19 =	ssub.s32 @!p1 $0xC0, s19;
	p3 =	por !p3, p1;
	s20 =	simm.s32 @!p2 $0x0  }
0x3b: {  	s27 =	simm.s32 @!p1 $0x2;
	s19 =	simm.s32 @!p3 $0x0;
	s24 =	sadd.s32 s20, s15  }
0x3c: {  	s1 =	smul.u32 @!p1 s21, s1;
	s20 =	sadd.s32 $0x4, s16;
	p3 =	sgt.s32 s24, $0xF  }
0x3d: {  	s22 =	smov.u32 s12;
	s23 =	simm.s32 @p2 $0x0;
	s25 =	smov.u32 @p3 s20  }
0x3e: {  	s1 =	smul.u32 @!p1 s19, s1;
	s19 =	sadd.s32 $0x400, s17;
	p2 =	sgt.s32 s25, $0xF  }
0x3f: {  	s12 =	smov.u32 s16;
	s21 =	smov.u32 s11;
	s26 =	smov.u32 @p2 s19  }
0x40: {  	s11 =	smov.u32 s15;
	s25 =	smov.u32 @p2 s5;
	p2 =	sgt.s32 s26, $0x3FF  }
0x41: {  	s24 =	simm.s32 @p3 $0x0;
	s26 =	smov.u32 @p2 s3;
	p2 =	sne.s32 s18, s8  }
.Ltmp1:
0x42: {  	s20 =	smov.u32 s13;
	s13 =	smov.u32 s17;
	(pc) =	sbr.rel @!p2 .LBB1_6-.Ltmp1, $4  }
0x43: {  	s15 =	smov.u32 s24;
	s1 =	sand.u32 @!p1 $0x3FFFFFFF, s1;
	s19 =	smov.u32 s10  }
0x44: {  	s10 =	smov.u32 s14;
	s14 =	smov.u32 s23;
	_ =	swait.ge @!p1 [sflag:s27], s1  }
0x45: {  	s1 =	ssub.s32 @!p1 $0x0, s1;
	s16 =	smov.u32 s25;
	[sflag:s27] =	ssyncset.done @!p1 $0x0  }
0x46: {  	s18 =	sadd.s32 $0x1, s18;
	[sflag:s27] =	ssyncadd.s32 @!p1 s1;
	s17 =	smov.u32 s26  }
.LBB1_1:
0x47: {  	p1 =	sge.u32 s18, s7;
	s31 =	sadd.s32 $0xFFFFFFFF, s18  }
0x48: {  	s23 =	sxor.u32 @!p1 $0xFFFFFFFF, s18;
	s24 =	sand.u32 @!p1 $0x78, s14;
	s25 =	sshll.u32 @!p1 s15, $0x8  }
0x49: {  	s26 =	sshll.u32 @!p1 s14, $0x3;
	s27 =	sshll.u32 @!p1 s15, $0x7;
	s23 =	sshll.u32 @!p1 s23, $0xE  }
0x4a: {  	s25 =	sand.u32 @!p1 $0x800, s25;
	s26 =	sand.u32 @!p1 $0xC00, s26;
	s23 =	sand.u32 @!p1 $0x4000, s23  }
0x4b: {  	s25 =	sadd.s32 @!p1 s25, s26;
	s26 =	sand.u32 @!p1 $0x300, s27;
	s27 =	sand.u32 @!p1 $0x80, s27  }
0x4c: {  	s25 =	sor.u32 @!p1 s26, s25;
	s24 =	sor.u32 @!p1 s24, s27;
	s26 =	sshll.u32 @!p1 s17, $0xD  }
0x4d: {  	s27 =	sshll.u32 @!p1 s16, $0x9;
	s25 =	sshrl.u32 @!p1 s25, $0x3;
	s26 =	sadd.s32 @!p1 s4, s26  }
0x4e: {  	s24 =	sshrl.u32 @!p1 s24, $0x3;
	s26 =	sadd.s32 @!p1 s27, s26;
	s27 =	sand.u32 @!p1 $0x7, s14  }
0x4f: {  	s25 =	sand.u32 @!p1 $0x1E0, s25;
	s24 =	sadd.s32 @!p1 s24, s26;
	s26 =	sshll.u32 @!p1 s27, $0x12  }
0x50: {  	s24 =	sadd.s32 @!p1 s25, s24;
	s25 =	sor.u32 @!p1 $0x80, s26;
	s26 =	simm.s32 @!p1 $0x10000  }
0x51: {  	[tilespmem:s23], [sflag:$0x1] =	stream.strided.gather @!p1 [hbm4b:s24+s25], $0x4000, s26, s25, $0x38;
	[tilespmem:$0x10100] =	vst v63  }
0x52: {  	p1 =	sge.u32 s31, s7  }
.Ltmp2:
0x53: {  	_ = 	snop;
	(pc) =	sbr.rel @p1 .LBB1_5-.Ltmp2, $1  }
0x54: {  	_ =	sdelay $0x3  }
0x55: {  	s23 =	simm.s32 $0x1  }
0x56: {  	_ =	swait.ge [sflag:s6], $0x4000;
	s23 =	simm.s32 @!p0 $0x0  }
0x57: {  	[sflag:s6] =	ssyncset.done $0x0;
	s24 =	sshll.u32 s23, $0xE  }
0x58: {  	[sflag:s6] =	ssyncadd.s32 $0xFFFFC000;
	s24 =	sor.u32 $0x40, s24  }
0x59: {  	s23 =	smul.u32 $0x10200, s23;
	v0 =	vld [tilespmem:s24+$0x30]  }
0x5a: {  	v1 =	vld [tilespmem:s24+$0xFFFFFFD0]  }
0x5b: {  	s23 =	sshrl.u32 s23, $0x2;
	v5 =	vld [tilespmem:s24+$0xFFFFFFE0]  }
0x5c: {  	v6 =	vld [tilespmem:s24+$0xFFFFFFF0];
	s26 =	sor.u32 $0x8000, s23  }
0x5d: {  	s31 =	sand.u32 $0x1, s18;
	v4 =	vld [tilespmem:s24+$0x0];
	s25 =	sadd.s32 $0x0, s26  }
0x5e: {  	v3 =	vld [tilespmem:s24+$0x10];
	s23 =	smul.u32 $0x10200, s31;
	[tilespmem:s25+$0x3870 ss:$0x81] =	vst.msk $0xffff, v0  }
0x5f: {  	v2 =	vld [tilespmem:s24+$0x20];
	[tilespmem:s25+$0x810 ss:$0x81] =	vst.msk $0xffff, v1  }
0x60: {  	s23 =	sshrl.u32 s23, $0x2;
	v0 =	vld [tilespmem:s24+$0xFFFFFFC0];
	[tilespmem:s25+$0x1020 ss:$0x81] =	vst.msk $0xffff, v5;
	s24 =	sadd.s32 $0x80, s24  }
0x61: {  	s27 =	simm.s32 $0x4;
	s28 =	simm.s32 $0x8;
	s23 =	sor.u32 $0x8000, s23;
	[tilespmem:s25+$0x1830 ss:$0x81] =	vst.msk $0xffff, v6;
	v1 =	vld [tilespmem:s24+$0x30]  }
.LBB1_3:
0x62: {  	p1 =	sne.s32 s28, $0x1FC;
	v5 =	vld [tilespmem:s24+$0xFFFFFFD0];
	[tilespmem:s25+$0x2040 ss:$0x81] =	vst.msk $0xffff, v4  }
0x63: {  	v6 =	vld [tilespmem:s24+$0xFFFFFFE0];
	[tilespmem:s25+$0x2850 ss:$0x81] =	vst.msk $0xffff, v3  }
0x64: {  	s29 =	sshra.s32 s27, $0x2;
	s27 =	smov.u32 s28;
	v7 =	vld [tilespmem:s24+$0xFFFFFFF0];
	[tilespmem:s25+$0x3060 ss:$0x81] =	vst.msk $0xffff, v2  }
.Ltmp3:
0x65: {  	v4 =	vld [tilespmem:s24+$0x0];
	[tilespmem:s25+$0x0 ss:$0x81] =	vst.msk $0xffff, v0;
	s25 =	sadd.s32 s29, s26;
	(pc) =	sbr.rel @p1 .LBB1_3-.Ltmp3, $4  }
0x66: {  	v3 =	vld [tilespmem:s24+$0x10];
	[tilespmem:s25+$0x3870 ss:$0x81] =	vst.msk $0xffff, v1  }
0x67: {  	[tilespmem:s25+$0x810 ss:$0x81] =	vst.msk $0xffff, v5;
	v2 =	vld [tilespmem:s24+$0x20]  }
0x68: {  	v0 =	vld [tilespmem:s24+$0xFFFFFFC0];
	[tilespmem:s25+$0x1020 ss:$0x81] =	vst.msk $0xffff, v6;
	s24 =	sadd.s32 $0x80, s24  }
0x69: {  	s28 =	sadd.s32 $0x4, s28;
	v1 =	vld [tilespmem:s24+$0x30];
	[tilespmem:s25+$0x1830 ss:$0x81] =	vst.msk $0xffff, v7  }
.Ltmp4:
0x6a: {  	_ = 	snop;
	(pc) =	sbr.rel .LBB1_4-.Ltmp4, $1  }
0x6b: {  	_ =	sdelay $0x3  }
.LBB1_6:
0x6c: {  	_ =	sfence.sel $0x180000  }
0x6d: {  	s1 =	simm.s32 $0x1;
	[bflag:$0x0] =	sbarrier.arrive $0xFFFF  }
0x6e: {  	s31 =	simm.s32 $0x2;
	[sflag:s1] =	ssyncpa.u1 $0x1  }
0x6f: {  	[sflag:s31] =	ssyncpa.u1 $0x1  }
0x70: {  	_ =	strace $0x9000004A  }
0x71: {  	[bflag:$0x2] =	sbarrier.arrive $0xFFFF  }
0x72: {  	p0 =	sne.s32 s0, $0x0;
	s0 =	rddreg [dreg:$0x2]  }
0x73: {  	s0 =	sadd.s32 @!p0 $0x100000, s0  }
0x74: {  	[sflag:s0] =	ssyncadd.tile.s32 @!p0 $0x1;
	_ =	shalt  }
.Lfunc_end1:
_tile_overlayer_lowered:
.L_overlay_start_2:
0x75: {  	(tag) =	ssettag $0x2  }
0x76: {  	s0 =	rddreg [dreg:$0x0];
	s2 =	stileid.u32  }
0x77: {  	s1 =	rddreg [dreg:$0x1];
	p0 =	sne.s32 s2, $0x0  }
0x78: {  	s3 =	rddreg [dreg:$0x2];
	[bflag:$0x3] =	sbarrier.arrive $0xFFFF;
	s2 =	simm.s32 @!p0 $0x1C01  }
0x79: {  	[timem:s3], [sflag:s2] =	dma.local @!p0 [hbm:s0], s1  }
0x7a: {  	s0 =	simm.s32 @!p0 $0x1  }
0x7b: {  	_ =	swait.ge @!p0 [sflag:s0], s1  }
0x7c: {  	s1 =	ssub.s32 @!p0 $0x0, s1;
	[sflag:s0] =	ssyncset.done @!p0 $0x0  }
0x7d: {  	[sflag:s0] =	ssyncadd.s32 @!p0 s1  }
0x7e: {  	[bflag:$0x3] =	sbarrier.arrive $0xFFFF  }
0x7f: {  	_ =	shalt  }

</sc_bundles>
